<compile_context>
chip_gen: v7x
topology: tpu7x:2x2x1
jax: 0.10.2.dev20260603
libtpu: 0.0.44.dev20260713+nightly
codegen_flags: <defaults>
</compile_context>

<pallas_src>
import functools

import jax
import jax.numpy as jnp
from jax import lax
from jax.experimental import pallas as pl
from jax.experimental.pallas import tpu as pltpu
from jax.experimental.pallas import tpu_sc as plsc

N = 10000
NP = 10240
D = 128
E = 320000
NC = 2
NS = 16
NW = NC * NS
CHUNK = 128
NCH = 80
EPT = NCH * CHUNK
EPAD = NW * EPT
GRP = 4
NGRP = NCH // GRP
ROWS_T = NP // NS
DUMP = N

_mesh = plsc.VectorSubcoreMesh(core_axis_name="c", subcore_axis_name="s")

_f32 = jnp.float32


def _zeros16():
    return jnp.zeros((16,), _f32)


def _ones16():
    return jnp.ones((16,), _f32)


@functools.partial(
    pl.kernel,
    out_type=jax.ShapeDtypeStruct((NC, 1, NP), _f32),
    mesh=_mesh,
    scratch_types=[
        pltpu.VMEM((NCH, 1, CHUNK), jnp.int32),
        pltpu.VMEM((CHUNK,), jnp.int32),
        pltpu.VMEM((CHUNK,), jnp.int32),
        pltpu.VMEM((CHUNK,), jnp.int32),
        pltpu.VMEM((CHUNK,), jnp.int32),
        pltpu.VMEM((CHUNK,), _f32),
        pltpu.VMEM((ROWS_T,), _f32),
        pltpu.VMEM_SHARED((NP,), _f32),
        pltpu.SemaphoreType.DMA,
    ],
)
def _deg_kernel(dst_hbm, out_hbm, idxall, ib0, ib1, ib2, ib3, ones_v, zb,
                deg_sh, sem):
    c = lax.axis_index("c")
    s = lax.axis_index("s")
    w = c * NS + s
    ibs = (ib0, ib1, ib2, ib3)

    for j in range(CHUNK // 16):
        ones_v[pl.ds(j * 16, 16)] = _ones16()

    @pl.loop(0, ROWS_T // 16)
    def _z(i):
        zb[pl.ds(i * 16, 16)] = _zeros16()

    pltpu.sync_copy(zb, deg_sh.at[pl.ds(s * ROWS_T, ROWS_T)])
    plsc.subcore_barrier()

    pltpu.sync_copy(dst_hbm.at[pl.ds(w * NCH, NCH)], idxall)

    @pl.loop(0, NGRP)
    def _grp(g):
        base = g * GRP
        descs = []
        for k in range(GRP):
            for j in range(CHUNK // 16):
                ibs[k][pl.ds(j * 16, 16)] = idxall[base + k, 0,
                                                   pl.ds(j * 16, 16)]
            d = pltpu.make_async_copy(ones_v, deg_sh.at[ibs[k]], sem)
            d.start(add=True)
            descs.append(d)
        for d in descs:
            d.wait()

    plsc.subcore_barrier()
    pltpu.sync_copy(deg_sh.at[pl.ds(s * ROWS_T, ROWS_T)],
                    out_hbm.at[c, 0, pl.ds(s * ROWS_T, ROWS_T)])


@functools.partial(
    pl.kernel,
    out_type=jax.ShapeDtypeStruct((NC, NP, D), _f32),
    mesh=_mesh,
    scratch_types=[
        pltpu.VMEM((NCH, 1, CHUNK), jnp.int32),
        pltpu.VMEM((NCH, 1, CHUNK), jnp.int32),
        pltpu.VMEM((CHUNK,), jnp.int32),
        pltpu.VMEM((CHUNK,), jnp.int32),
        pltpu.VMEM((CHUNK, D), _f32),
        pltpu.VMEM_SHARED((NP, D), _f32),
        pltpu.SemaphoreType.DMA,
        pltpu.SemaphoreType.DMA,
    ],
)
def _hop_kernel(tab_hbm, src_hbm, dst_hbm, out_hbm, sidx, didx,
                ibs, ibd, rb_g, acc, gsem, ssem):
    c = lax.axis_index("c")
    s = lax.axis_index("s")
    w = c * NS + s

    @pl.loop(0, CHUNK)
    def _z(i):
        for j in range(D // 16):
            rb_g[i, pl.ds(j * 16, 16)] = _zeros16()

    for r in range(ROWS_T // CHUNK):
        pltpu.sync_copy(rb_g, acc.at[pl.ds(s * ROWS_T + r * CHUNK, CHUNK)])
    plsc.subcore_barrier()

    pltpu.sync_copy(src_hbm.at[pl.ds(w * NCH, NCH)], sidx)
    pltpu.sync_copy(dst_hbm.at[pl.ds(w * NCH, NCH)], didx)

    @pl.loop(0, NCH)
    def _chunk(ch):
        for j in range(CHUNK // 16):
            ibs[pl.ds(j * 16, 16)] = sidx[ch, 0, pl.ds(j * 16, 16)]
            ibd[pl.ds(j * 16, 16)] = didx[ch, 0, pl.ds(j * 16, 16)]
        g = pltpu.make_async_copy(tab_hbm.at[ibs], rb_g, gsem)
        g.start()
        g.wait()
        sct = pltpu.make_async_copy(rb_g, acc.at[ibd], ssem)
        sct.start(add=True)
        sct.wait()

    plsc.subcore_barrier()
    pltpu.sync_copy(acc.at[pl.ds(s * ROWS_T, ROWS_T)],
                    out_hbm.at[c, pl.ds(s * ROWS_T, ROWS_T)])


def _mm_scales_body(x_ref, w_ref, d_ref, y_ref, sc_ref):
    deg = jnp.maximum(d_ref[0, 0, :] + d_ref[1, 0, :], 1.0)
    nrm = lax.rsqrt(deg)
    sc_ref[0, :] = 1.0 / deg
    sc_ref[1, :] = nrm
    y = jnp.dot(x_ref[...], w_ref[...], preferred_element_type=_f32)
    y_ref[...] = y * nrm[:, None]


def _comb_scale_body(p_ref, s_ref, b_ref, o_ref):
    o_ref[...] = (p_ref[0] + p_ref[1]) * s_ref[...][:, None] \
        + b_ref[...][None, :]


_mm_scales = pl.pallas_call(
    _mm_scales_body,
    out_shape=(jax.ShapeDtypeStruct((NP, D), _f32),
               jax.ShapeDtypeStruct((2, NP), _f32)))
_comb_scale = pl.pallas_call(
    _comb_scale_body, out_shape=jax.ShapeDtypeStruct((NP, D), _f32))


def kernel(feat, edge_index, W, b):
    src = edge_index[0]
    dst = edge_index[1]
    pad = EPAD - E
    pad_row = DUMP + (jnp.arange(pad, dtype=jnp.int32) % (NP - N))
    srcp = jnp.concatenate([src, pad_row]).reshape(NW * NCH, 1, CHUNK)
    dstp = jnp.concatenate([dst, pad_row]).reshape(NW * NCH, 1, CHUNK)
    featp = jnp.pad(feat, ((0, NP - N), (0, 0)))

    deg01 = _deg_kernel(dstp)
    y0, scales = _mm_scales(featp, W, deg01)
    bias_xs = jnp.stack([jnp.zeros((D,), _f32), b])

    def _body(y, xs):
        scale_i, b_i = xs
        p = _hop_kernel(y, srcp, dstp)
        return _comb_scale(p, scale_i, b_i), None

    y2, _ = lax.scan(_body, y0, (scales, bias_xs))
    return y2[:N]

# --- scband reference (transcript-rebuilt; emitter-appended) ---
"""Pipeline reference for scband-sgc-43920335568931 (READ-ONLY COPY).

The authoritative reference and input builder live on the scoring server;
editing this copy changes nothing except your own understanding.
"""

import jax, jax.numpy as jnp
import numpy as np

N = 10000
E = 320000
D_IN = 128
D_OUT = 128
K = 2


def setup_inputs(seed: int = 0) -> dict:
    key = jax.random.key(seed)
    k1, k2, k3, k4 = jax.random.split(key, 4)
    feat = jax.random.normal(k1, (N, D_IN), dtype=jnp.float32)
    edge_index = jax.random.randint(k2, (2, E), 0, N, dtype=jnp.int32)
    W = jax.random.normal(k3, (D_IN, D_OUT), dtype=jnp.float32) * (1.0 / np.sqrt(D_IN))
    b = jax.random.normal(k4, (D_OUT,), dtype=jnp.float32) * 0.01
    return {"feat": feat, "edge_index": edge_index, "W": W, "b": b}


def reference(feat, edge_index, W, b):
    # DGL SGConv with norm='both', k=K, cached symmetric-normalized propagation:
    # h = (D^-1/2 A D^-1/2)^K X, then linear layer h @ W + b.
    src = edge_index[0]
    dst = edge_index[1]
    n = feat.shape[0]
    # in-degrees (DGL SGConv uses in_degrees for both sides of the norm)
    deg = jnp.zeros((n,), dtype=feat.dtype).at[dst].add(1.0)
    norm = jnp.power(jnp.clip(deg, 1.0, None), -0.5)[:, None]
    h = feat
    for _ in range(K):
        h = h * norm
        # message passing: copy_u + sum aggregation (scatter-add over dst)
        h = jnp.zeros((n, h.shape[1]), dtype=h.dtype).at[dst].add(jnp.take(h, src, axis=0))
        h = h * norm
    return h @ W + b

if __name__ == "__main__":
    import jax
    _d = setup_inputs()
    print(jax.jit(kernel)(*tuple(_d.values())))

</pallas_src>

<mosaic_0001>
#map = affine_map<(d0, d1) -> (0, 0, 0)>
module attributes {stable_mosaic.version = 14 : i64} {
  func.func @_deg_kernel(%arg0: i32, %arg1: i32, %arg2: memref<2560x1x128xi32, #tpu.memory_space<hbm>>, %arg3: memref<2x1x10240xf32, #tpu.memory_space<hbm>>, %arg4: memref<80x1x128xi32, #tpu.memory_space<vmem>>, %arg5: memref<128xi32, #tpu.memory_space<vmem>>, %arg6: memref<128xi32, #tpu.memory_space<vmem>>, %arg7: memref<128xi32, #tpu.memory_space<vmem>>, %arg8: memref<128xi32, #tpu.memory_space<vmem>>, %arg9: memref<128xf32, #tpu.memory_space<vmem>>, %arg10: memref<640xf32, #tpu.memory_space<vmem>>, %arg11: memref<10240xf32, #tpu.memory_space<vmem_shared>>, %arg12: memref<!tpu.dma_semaphore, #tpu.memory_space<semaphore_mem>>) attributes {dimension_semantics = [#tpu.dimension_semantics<core_parallel>, #tpu.dimension_semantics<subcore_parallel>], iteration_bounds = array<i64: 2, 16>, scalar_prefetch = 0 : i64, scratch_operands = 9 : i64, tpu.core_type = #tpu.core_type<sc_vector_subcore>, window_params = [{transform_indices = #map}, {transform_indices = #map}]} {
    %mul3A = arith.constant 16 : i32
    %mul3A_0 = arith.muli %arg0, %mul3A : i32
    %add3A = arith.addi %mul3A_0, %arg1 : i32
    %broadcast_in_dim3A = arith.constant 1.000000e+00 : f32
    %broadcast_in_dim3A_1 = vector.broadcast %broadcast_in_dim3A : f32 to vector<16xf32>
    %swap3A = arith.constant 0 : index
    %swap3A_2 = tpu.vector_load %arg9[%swap3A] {strides = array<i32>} : memref<128xf32, #tpu.memory_space<vmem>>, vector<16xf32>,
    %swap3A_3 = vector.shape_cast %swap3A_2 : vector<16xf32> to vector<16xf32>
    %swap3A_4 = vector.shape_cast %broadcast_in_dim3A_1 : vector<16xf32> to vector<16xf32>
    tpu.vector_store %arg9[%swap3A], %swap3A_4 {strides = array<i32>} : memref<128xf32, #tpu.memory_space<vmem>>, vector<16xf32>,
    %broadcast_in_dim3A_5 = arith.constant 1.000000e+00 : f32
    %broadcast_in_dim3A_6 = vector.broadcast %broadcast_in_dim3A_5 : f32 to vector<16xf32>
    %swap3A_7 = arith.constant 16 : index
    %swap3A_8 = tpu.vector_load %arg9[%swap3A_7] {strides = array<i32>} : memref<128xf32, #tpu.memory_space<vmem>>, vector<16xf32>,
    %swap3A_9 = vector.shape_cast %swap3A_8 : vector<16xf32> to vector<16xf32>
    %swap3A_10 = vector.shape_cast %broadcast_in_dim3A_6 : vector<16xf32> to vector<16xf32>
    tpu.vector_store %arg9[%swap3A_7], %swap3A_10 {strides = array<i32>} : memref<128xf32, #tpu.memory_space<vmem>>, vector<16xf32>,
    %broadcast_in_dim3A_11 = arith.constant 1.000000e+00 : f32
    %broadcast_in_dim3A_12 = vector.broadcast %broadcast_in_dim3A_11 : f32 to vector<16xf32>
    %swap3A_13 = arith.constant 32 : index
    %swap3A_14 = tpu.vector_load %arg9[%swap3A_13] {strides = array<i32>} : memref<128xf32, #tpu.memory_space<vmem>>, vector<16xf32>,
    %swap3A_15 = vector.shape_cast %swap3A_14 : vector<16xf32> to vector<16xf32>
    %swap3A_16 = vector.shape_cast %broadcast_in_dim3A_12 : vector<16xf32> to vector<16xf32>
    tpu.vector_store %arg9[%swap3A_13], %swap3A_16 {strides = array<i32>} : memref<128xf32, #tpu.memory_space<vmem>>, vector<16xf32>,
    %broadcast_in_dim3A_17 = arith.constant 1.000000e+00 : f32
    %broadcast_in_dim3A_18 = vector.broadcast %broadcast_in_dim3A_17 : f32 to vector<16xf32>
    %swap3A_19 = arith.constant 48 : index
    %swap3A_20 = tpu.vector_load %arg9[%swap3A_19] {strides = array<i32>} : memref<128xf32, #tpu.memory_space<vmem>>, vector<16xf32>,
    %swap3A_21 = vector.shape_cast %swap3A_20 : vector<16xf32> to vector<16xf32>
    %swap3A_22 = vector.shape_cast %broadcast_in_dim3A_18 : vector<16xf32> to vector<16xf32>
    tpu.vector_store %arg9[%swap3A_19], %swap3A_22 {strides = array<i32>} : memref<128xf32, #tpu.memory_space<vmem>>, vector<16xf32>,
    %broadcast_in_dim3A_23 = arith.constant 1.000000e+00 : f32
    %broadcast_in_dim3A_24 = vector.broadcast %broadcast_in_dim3A_23 : f32 to vector<16xf32>
    %swap3A_25 = arith.constant 64 : index
    %swap3A_26 = tpu.vector_load %arg9[%swap3A_25] {strides = array<i32>} : memref<128xf32, #tpu.memory_space<vmem>>, vector<16xf32>,
    %swap3A_27 = vector.shape_cast %swap3A_26 : vector<16xf32> to vector<16xf32>
    %swap3A_28 = vector.shape_cast %broadcast_in_dim3A_24 : vector<16xf32> to vector<16xf32>
    tpu.vector_store %arg9[%swap3A_25], %swap3A_28 {strides = array<i32>} : memref<128xf32, #tpu.memory_space<vmem>>, vector<16xf32>,
    %broadcast_in_dim3A_29 = arith.constant 1.000000e+00 : f32
    %broadcast_in_dim3A_30 = vector.broadcast %broadcast_in_dim3A_29 : f32 to vector<16xf32>
    %swap3A_31 = arith.constant 80 : index
    %swap3A_32 = tpu.vector_load %arg9[%swap3A_31] {strides = array<i32>} : memref<128xf32, #tpu.memory_space<vmem>>, vector<16xf32>,
    %swap3A_33 = vector.shape_cast %swap3A_32 : vector<16xf32> to vector<16xf32>
    %swap3A_34 = vector.shape_cast %broadcast_in_dim3A_30 : vector<16xf32> to vector<16xf32>
    tpu.vector_store %arg9[%swap3A_31], %swap3A_34 {strides = array<i32>} : memref<128xf32, #tpu.memory_space<vmem>>, vector<16xf32>,
    %broadcast_in_dim3A_35 = arith.constant 1.000000e+00 : f32
    %broadcast_in_dim3A_36 = vector.broadcast %broadcast_in_dim3A_35 : f32 to vector<16xf32>
    %swap3A_37 = arith.constant 96 : index
    %swap3A_38 = tpu.vector_load %arg9[%swap3A_37] {strides = array<i32>} : memref<128xf32, #tpu.memory_space<vmem>>, vector<16xf32>,
    %swap3A_39 = vector.shape_cast %swap3A_38 : vector<16xf32> to vector<16xf32>
    %swap3A_40 = vector.shape_cast %broadcast_in_dim3A_36 : vector<16xf32> to vector<16xf32>
    tpu.vector_store %arg9[%swap3A_37], %swap3A_40 {strides = array<i32>} : memref<128xf32, #tpu.memory_space<vmem>>, vector<16xf32>,
    %broadcast_in_dim3A_41 = arith.constant 1.000000e+00 : f32
    %broadcast_in_dim3A_42 = vector.broadcast %broadcast_in_dim3A_41 : f32 to vector<16xf32>
    %swap3A_43 = arith.constant 112 : index
    %swap3A_44 = tpu.vector_load %arg9[%swap3A_43] {strides = array<i32>} : memref<128xf32, #tpu.memory_space<vmem>>, vector<16xf32>,
    %swap3A_45 = vector.shape_cast %swap3A_44 : vector<16xf32> to vector<16xf32>
    %swap3A_46 = vector.shape_cast %broadcast_in_dim3A_42 : vector<16xf32> to vector<16xf32>
    tpu.vector_store %arg9[%swap3A_43], %swap3A_46 {strides = array<i32>} : memref<128xf32, #tpu.memory_space<vmem>>, vector<16xf32>,
    %scan3A = arith.constant 0 : i32
    %scan3A_47 = arith.constant 40 : i32
    %scan3A_48 = arith.addi %scan3A, %scan3A_47 : i32
    %scan3A_49 = arith.constant 1 : i32
    scf.for %scan3A_65 = %scan3A to %scan3A_48 step %scan3A_49  : i32 {
      %mul3A_66 = arith.constant 1 : i32
      %mul3A_67 = arith.muli %scan3A_65, %mul3A_66 : i32
      %add3A_68 = arith.constant 0 : i32
      %add3A_69 = arith.addi %add3A_68, %mul3A_67 : i32
      %broadcast_in_dim3A_70 = arith.constant 0.000000e+00 : f32
      %broadcast_in_dim3A_71 = vector.broadcast %broadcast_in_dim3A_70 : f32 to vector<16xf32>
      %mul3A_72 = arith.constant 16 : i32
      %mul3A_73 = arith.muli %add3A_69, %mul3A_72 : i32
      %swap3A_74 = arith.index_cast %mul3A_73 : i32 to index
      %swap3A_75 = tpu.vector_load %arg10[%swap3A_74] {strides = array<i32>} : memref<640xf32, #tpu.memory_space<vmem>>, vector<16xf32>,
      %swap3A_76 = vector.shape_cast %swap3A_75 : vector<16xf32> to vector<16xf32>
      %swap3A_77 = vector.shape_cast %broadcast_in_dim3A_71 : vector<16xf32> to vector<16xf32>
      tpu.vector_store %arg10[%swap3A_74], %swap3A_77 {strides = array<i32>} : memref<640xf32, #tpu.memory_space<vmem>>, vector<16xf32>,
    }
    %scan3A_50 = arith.constant 40 : i32
    %mul3A_51 = arith.constant 640 : i32
    %mul3A_52 = arith.muli %arg1, %mul3A_51 : i32
    "tpu.region"() ({
      %run_scoped3A_65 = tpu.sem_alloc : memref<!tpu.dma_semaphore, #tpu.memory_space<semaphore_mem>>
      %dma_start3A = tpu.memref_slice %arg11[%mul3A_52] : memref<10240xf32, #tpu.memory_space<vmem_shared>> -> memref<640xf32, #tpu.memory_space<vmem_shared>>
      %dma_start3A_66 = tpu.memref_slice %arg11[%mul3A_52] : memref<10240xf32, #tpu.memory_space<vmem_shared>> -> memref<640xf32, #tpu.memory_space<vmem_shared>>
      tpu.enqueue_dma source(%arg10 : memref<640xf32, #tpu.memory_space<vmem>>) target(%dma_start3A_66 : memref<640xf32, #tpu.memory_space<vmem_shared>>) target_semaphore(%run_scoped3A_65 : memref<!tpu.dma_semaphore, #tpu.memory_space<semaphore_mem>>)
      %dma_wait3A = tpu.memref_slice %arg11[%mul3A_52] : memref<10240xf32, #tpu.memory_space<vmem_shared>> -> memref<640xf32, #tpu.memory_space<vmem_shared>>
      %dma_wait3A_67 = tpu.memref_slice %arg11[%mul3A_52] : memref<10240xf32, #tpu.memory_space<vmem_shared>> -> memref<640xf32, #tpu.memory_space<vmem_shared>>
      tpu.wait_dma2 semaphore(%run_scoped3A_65 : memref<!tpu.dma_semaphore, #tpu.memory_space<semaphore_mem>>) src(%arg10 : memref<640xf32, #tpu.memory_space<vmem>>) dst(%dma_wait3A_67 : memref<640xf32, #tpu.memory_space<vmem_shared>>)
      tpu.yield
    }) : () -> ()
    %barrier3A = arith.constant 0 : index
    tpu.barrier barrier_id(%barrier3A)
    %mul3A_53 = arith.constant 80 : i32
    %mul3A_54 = arith.muli %add3A, %mul3A_53 : i32
    "tpu.region"() ({
      %run_scoped3A_65 = tpu.sem_alloc : memref<!tpu.dma_semaphore, #tpu.memory_space<semaphore_mem>>
      %dma_start3A = arith.constant 0 : i32
      %dma_start3A_66 = arith.constant 0 : i32
      %dma_start3A_67 = tpu.memref_slice %arg2[%mul3A_54, %dma_start3A, %dma_start3A_66] : memref<2560x1x128xi32, #tpu.memory_space<hbm>> -> memref<80x1x128xi32, #tpu.memory_space<hbm>>
      %dma_start3A_68 = arith.constant 0 : i32
      %dma_start3A_69 = arith.constant 0 : i32
      %dma_start3A_70 = tpu.memref_slice %arg2[%mul3A_54, %dma_start3A_68, %dma_start3A_69] : memref<2560x1x128xi32, #tpu.memory_space<hbm>> -> memref<80x1x128xi32, #tpu.memory_space<hbm>>
      tpu.enqueue_dma source(%dma_start3A_70 : memref<80x1x128xi32, #tpu.memory_space<hbm>>) target(%arg4 : memref<80x1x128xi32, #tpu.memory_space<vmem>>) target_semaphore(%run_scoped3A_65 : memref<!tpu.dma_semaphore, #tpu.memory_space<semaphore_mem>>)
      %dma_wait3A = arith.constant 0 : i32
      %dma_wait3A_71 = arith.constant 0 : i32
      %dma_wait3A_72 = tpu.memref_slice %arg2[%mul3A_54, %dma_wait3A, %dma_wait3A_71] : memref<2560x1x128xi32, #tpu.memory_space<hbm>> -> memref<80x1x128xi32, #tpu.memory_space<hbm>>
      %dma_wait3A_73 = arith.constant 0 : i32
      %dma_wait3A_74 = arith.constant 0 : i32
      %dma_wait3A_75 = tpu.memref_slice %arg2[%mul3A_54, %dma_wait3A_73, %dma_wait3A_74] : memref<2560x1x128xi32, #tpu.memory_space<hbm>> -> memref<80x1x128xi32, #tpu.memory_space<hbm>>
      tpu.wait_dma2 semaphore(%run_scoped3A_65 : memref<!tpu.dma_semaphore, #tpu.memory_space<semaphore_mem>>) src(%dma_wait3A_75 : memref<80x1x128xi32, #tpu.memory_space<hbm>>) dst(%arg4 : memref<80x1x128xi32, #tpu.memory_space<vmem>>)
      tpu.yield
    }) : () -> ()
    %scan3A_55 = arith.constant 0 : i32
    %scan3A_56 = arith.constant 20 : i32
    %scan3A_57 = arith.addi %scan3A_55, %scan3A_56 : i32
    %scan3A_58 = arith.constant 1 : i32
    scf.for %scan3A_65 = %scan3A_55 to %scan3A_57 step %scan3A_58  : i32 {
      %mul3A_66 = arith.constant 1 : i32
      %mul3A_67 = arith.muli %scan3A_65, %mul3A_66 : i32
      %add3A_68 = arith.constant 0 : i32
      %add3A_69 = arith.addi %add3A_68, %mul3A_67 : i32
      %mul3A_70 = arith.constant 4 : i32
      %mul3A_71 = arith.muli %add3A_69, %mul3A_70 : i32
      %add3A_72 = arith.constant 0 : i32
      %add3A_73 = arith.addi %mul3A_71, %add3A_72 : i32
      %get3A = arith.constant 0 : i32
      %get3A_74 = arith.index_cast %add3A_73 : i32 to index
      %get3A_75 = arith.index_cast %get3A : i32 to index
      %get3A_76 = arith.constant 0 : index
      %get3A_77 = tpu.vector_load %arg4[%get3A_74, %get3A_75, %get3A_76] {strides = array<i32>} : memref<80x1x128xi32, #tpu.memory_space<vmem>>, vector<1x1x16xi32>,
      %get3A_78 = vector.shape_cast %get3A_77 : vector<1x1x16xi32> to vector<16xi32>
      %swap3A_79 = arith.constant 0 : index
      %swap3A_80 = tpu.vector_load %arg5[%swap3A_79] {strides = array<i32>} : memref<128xi32, #tpu.memory_space<vmem>>, vector<16xi32>,
      %swap3A_81 = vector.shape_cast %swap3A_80 : vector<16xi32> to vector<16xi32>
      %swap3A_82 = vector.shape_cast %get3A_78 : vector<16xi32> to vector<16xi32>
      tpu.vector_store %arg5[%swap3A_79], %swap3A_82 {strides = array<i32>} : memref<128xi32, #tpu.memory_space<vmem>>, vector<16xi32>,
      %add3A_83 = arith.constant 0 : i32
      %add3A_84 = arith.addi %mul3A_71, %add3A_83 : i32
      %get3A_85 = arith.constant 0 : i32
      %get3A_86 = arith.index_cast %add3A_84 : i32 to index
      %get3A_87 = arith.index_cast %get3A_85 : i32 to index
      %get3A_88 = arith.constant 16 : index
      %get3A_89 = tpu.vector_load %arg4[%get3A_86, %get3A_87, %get3A_88] {strides = array<i32>} : memref<80x1x128xi32, #tpu.memory_space<vmem>>, vector<1x1x16xi32>,
      %get3A_90 = vector.shape_cast %get3A_89 : vector<1x1x16xi32> to vector<16xi32>
      %swap3A_91 = arith.constant 16 : index
      %swap3A_92 = tpu.vector_load %arg5[%swap3A_91] {strides = array<i32>} : memref<128xi32, #tpu.memory_space<vmem>>, vector<16xi32>,
      %swap3A_93 = vector.shape_cast %swap3A_92 : vector<16xi32> to vector<16xi32>
      %swap3A_94 = vector.shape_cast %get3A_90 : vector<16xi32> to vector<16xi32>
      tpu.vector_store %arg5[%swap3A_91], %swap3A_94 {strides = array<i32>} : memref<128xi32, #tpu.memory_space<vmem>>, vector<16xi32>,
      %add3A_95 = arith.constant 0 : i32
      %add3A_96 = arith.addi %mul3A_71, %add3A_95 : i32
      %get3A_97 = arith.constant 0 : i32
      %get3A_98 = arith.index_cast %add3A_96 : i32 to index
      %get3A_99 = arith.index_cast %get3A_97 : i32 to index
      %get3A_100 = arith.constant 32 : index
      %get3A_101 = tpu.vector_load %arg4[%get3A_98, %get3A_99, %get3A_100] {strides = array<i32>} : memref<80x1x128xi32, #tpu.memory_space<vmem>>, vector<1x1x16xi32>,
      %get3A_102 = vector.shape_cast %get3A_101 : vector<1x1x16xi32> to vector<16xi32>
      %swap3A_103 = arith.constant 32 : index
      %swap3A_104 = tpu.vector_load %arg5[%swap3A_103] {strides = array<i32>} : memref<128xi32, #tpu.memory_space<vmem>>, vector<16xi32>,
      %swap3A_105 = vector.shape_cast %swap3A_104 : vector<16xi32> to vector<16xi32>
      %swap3A_106 = vector.shape_cast %get3A_102 : vector<16xi32> to vector<16xi32>
      tpu.vector_store %arg5[%swap3A_103], %swap3A_106 {strides = array<i32>} : memref<128xi32, #tpu.memory_space<vmem>>, vector<16xi32>,
      %add3A_107 = arith.constant 0 : i32
      %add3A_108 = arith.addi %mul3A_71, %add3A_107 : i32
      %get3A_109 = arith.constant 0 : i32
      %get3A_110 = arith.index_cast %add3A_108 : i32 to index
      %get3A_111 = arith.index_cast %get3A_109 : i32 to index
      %get3A_112 = arith.constant 48 : index
      %get3A_113 = tpu.vector_load %arg4[%get3A_110, %get3A_111, %get3A_112] {strides = array<i32>} : memref<80x1x128xi32, #tpu.memory_space<vmem>>, vector<1x1x16xi32>,
      %get3A_114 = vector.shape_cast %get3A_113 : vector<1x1x16xi32> to vector<16xi32>
      %swap3A_115 = arith.constant 48 : index
      %swap3A_116 = tpu.vector_load %arg5[%swap3A_115] {strides = array<i32>} : memref<128xi32, #tpu.memory_space<vmem>>, vector<16xi32>,
      %swap3A_117 = vector.shape_cast %swap3A_116 : vector<16xi32> to vector<16xi32>
      %swap3A_118 = vector.shape_cast %get3A_114 : vector<16xi32> to vector<16xi32>
      tpu.vector_store %arg5[%swap3A_115], %swap3A_118 {strides = array<i32>} : memref<128xi32, #tpu.memory_space<vmem>>, vector<16xi32>,
      %add3A_119 = arith.constant 0 : i32
      %add3A_120 = arith.addi %mul3A_71, %add3A_119 : i32
      %get3A_121 = arith.constant 0 : i32
      %get3A_122 = arith.index_cast %add3A_120 : i32 to index
      %get3A_123 = arith.index_cast %get3A_121 : i32 to index
      %get3A_124 = arith.constant 64 : index
      %get3A_125 = tpu.vector_load %arg4[%get3A_122, %get3A_123, %get3A_124] {strides = array<i32>} : memref<80x1x128xi32, #tpu.memory_space<vmem>>, vector<1x1x16xi32>,
      %get3A_126 = vector.shape_cast %get3A_125 : vector<1x1x16xi32> to vector<16xi32>
      %swap3A_127 = arith.constant 64 : index
      %swap3A_128 = tpu.vector_load %arg5[%swap3A_127] {strides = array<i32>} : memref<128xi32, #tpu.memory_space<vmem>>, vector<16xi32>,
      %swap3A_129 = vector.shape_cast %swap3A_128 : vector<16xi32> to vector<16xi32>
      %swap3A_130 = vector.shape_cast %get3A_126 : vector<16xi32> to vector<16xi32>
      tpu.vector_store %arg5[%swap3A_127], %swap3A_130 {strides = array<i32>} : memref<128xi32, #tpu.memory_space<vmem>>, vector<16xi32>,
      %add3A_131 = arith.constant 0 : i32
      %add3A_132 = arith.addi %mul3A_71, %add3A_131 : i32
      %get3A_133 = arith.constant 0 : i32
      %get3A_134 = arith.index_cast %add3A_132 : i32 to index
      %get3A_135 = arith.index_cast %get3A_133 : i32 to index
      %get3A_136 = arith.constant 80 : index
      %get3A_137 = tpu.vector_load %arg4[%get3A_134, %get3A_135, %get3A_136] {strides = array<i32>} : memref<80x1x128xi32, #tpu.memory_space<vmem>>, vector<1x1x16xi32>,
      %get3A_138 = vector.shape_cast %get3A_137 : vector<1x1x16xi32> to vector<16xi32>
      %swap3A_139 = arith.constant 80 : index
      %swap3A_140 = tpu.vector_load %arg5[%swap3A_139] {strides = array<i32>} : memref<128xi32, #tpu.memory_space<vmem>>, vector<16xi32>,
      %swap3A_141 = vector.shape_cast %swap3A_140 : vector<16xi32> to vector<16xi32>
      %swap3A_142 = vector.shape_cast %get3A_138 : vector<16xi32> to vector<16xi32>
      tpu.vector_store %arg5[%swap3A_139], %swap3A_142 {strides = array<i32>} : memref<128xi32, #tpu.memory_space<vmem>>, vector<16xi32>,
      %add3A_143 = arith.constant 0 : i32
      %add3A_144 = arith.addi %mul3A_71, %add3A_143 : i32
      %get3A_145 = arith.constant 0 : i32
      %get3A_146 = arith.index_cast %add3A_144 : i32 to index
      %get3A_147 = arith.index_cast %get3A_145 : i32 to index
      %get3A_148 = arith.constant 96 : index
      %get3A_149 = tpu.vector_load %arg4[%get3A_146, %get3A_147, %get3A_148] {strides = array<i32>} : memref<80x1x128xi32, #tpu.memory_space<vmem>>, vector<1x1x16xi32>,
      %get3A_150 = vector.shape_cast %get3A_149 : vector<1x1x16xi32> to vector<16xi32>
      %swap3A_151 = arith.constant 96 : index
      %swap3A_152 = tpu.vector_load %arg5[%swap3A_151] {strides = array<i32>} : memref<128xi32, #tpu.memory_space<vmem>>, vector<16xi32>,
      %swap3A_153 = vector.shape_cast %swap3A_152 : vector<16xi32> to vector<16xi32>
      %swap3A_154 = vector.shape_cast %get3A_150 : vector<16xi32> to vector<16xi32>
      tpu.vector_store %arg5[%swap3A_151], %swap3A_154 {strides = array<i32>} : memref<128xi32, #tpu.memory_space<vmem>>, vector<16xi32>,
      %add3A_155 = arith.constant 0 : i32
      %add3A_156 = arith.addi %mul3A_71, %add3A_155 : i32
      %get3A_157 = arith.constant 0 : i32
      %get3A_158 = arith.index_cast %add3A_156 : i32 to index
      %get3A_159 = arith.index_cast %get3A_157 : i32 to index
      %get3A_160 = arith.constant 112 : index
      %get3A_161 = tpu.vector_load %arg4[%get3A_158, %get3A_159, %get3A_160] {strides = array<i32>} : memref<80x1x128xi32, #tpu.memory_space<vmem>>, vector<1x1x16xi32>,
      %get3A_162 = vector.shape_cast %get3A_161 : vector<1x1x16xi32> to vector<16xi32>
      %swap3A_163 = arith.constant 112 : index
      %swap3A_164 = tpu.vector_load %arg5[%swap3A_163] {strides = array<i32>} : memref<128xi32, #tpu.memory_space<vmem>>, vector<16xi32>,
      %swap3A_165 = vector.shape_cast %swap3A_164 : vector<16xi32> to vector<16xi32>
      %swap3A_166 = vector.shape_cast %get3A_162 : vector<16xi32> to vector<16xi32>
      tpu.vector_store %arg5[%swap3A_163], %swap3A_166 {strides = array<i32>} : memref<128xi32, #tpu.memory_space<vmem>>, vector<16xi32>,
      %dma_start3A = arith.constant 0 : i32
      %dma_start3A_167 = tpu.memref_slice %arg11[%dma_start3A] : memref<10240xf32, #tpu.memory_space<vmem_shared>> -> memref<10240xf32, #tpu.memory_space<vmem_shared>>
      tpu.enqueue_indirect_dma source(%arg9 : memref<128xf32, #tpu.memory_space<vmem>>) target(%dma_start3A_167 : memref<10240xf32, #tpu.memory_space<vmem_shared>>) offsets(%arg5 : memref<128xi32, #tpu.memory_space<vmem>>) semaphore(%arg12 : memref<!tpu.dma_semaphore, #tpu.memory_space<semaphore_mem>>) {add = true}
      %add3A_168 = arith.constant 1 : i32
      %add3A_169 = arith.addi %mul3A_71, %add3A_168 : i32
      %get3A_170 = arith.constant 0 : i32
      %get3A_171 = arith.index_cast %add3A_169 : i32 to index
      %get3A_172 = arith.index_cast %get3A_170 : i32 to index
      %get3A_173 = arith.constant 0 : index
      %get3A_174 = tpu.vector_load %arg4[%get3A_171, %get3A_172, %get3A_173] {strides = array<i32>} : memref<80x1x128xi32, #tpu.memory_space<vmem>>, vector<1x1x16xi32>,
      %get3A_175 = vector.shape_cast %get3A_174 : vector<1x1x16xi32> to vector<16xi32>
      %swap3A_176 = arith.constant 0 : index
      %swap3A_177 = tpu.vector_load %arg6[%swap3A_176] {strides = array<i32>} : memref<128xi32, #tpu.memory_space<vmem>>, vector<16xi32>,
      %swap3A_178 = vector.shape_cast %swap3A_177 : vector<16xi32> to vector<16xi32>
      %swap3A_179 = vector.shape_cast %get3A_175 : vector<16xi32> to vector<16xi32>
      tpu.vector_store %arg6[%swap3A_176], %swap3A_179 {strides = array<i32>} : memref<128xi32, #tpu.memory_space<vmem>>, vector<16xi32>,
      %add3A_180 = arith.constant 1 : i32
      %add3A_181 = arith.addi %mul3A_71, %add3A_180 : i32
      %get3A_182 = arith.constant 0 : i32
      %get3A_183 = arith.index_cast %add3A_181 : i32 to index
      %get3A_184 = arith.index_cast %get3A_182 : i32 to index
      %get3A_185 = arith.constant 16 : index
      %get3A_186 = tpu.vector_load %arg4[%get3A_183, %get3A_184, %get3A_185] {strides = array<i32>} : memref<80x1x128xi32, #tpu.memory_space<vmem>>, vector<1x1x16xi32>,
      %get3A_187 = vector.shape_cast %get3A_186 : vector<1x1x16xi32> to vector<16xi32>
      %swap3A_188 = arith.constant 16 : index
      %swap3A_189 = tpu.vector_load %arg6[%swap3A_188] {strides = array<i32>} : memref<128xi32, #tpu.memory_space<vmem>>, vector<16xi32>,
      %swap3A_190 = vector.shape_cast %swap3A_189 : vector<16xi32> to vector<16xi32>
      %swap3A_191 = vector.shape_cast %get3A_187 : vector<16xi32> to vector<16xi32>
      tpu.vector_store %arg6[%swap3A_188], %swap3A_191 {strides = array<i32>} : memref<128xi32, #tpu.memory_space<vmem>>, vector<16xi32>,
      %add3A_192 = arith.constant 1 : i32
      %add3A_193 = arith.addi %mul3A_71, %add3A_192 : i32
      %get3A_194 = arith.constant 0 : i32
      %get3A_195 = arith.index_cast %add3A_193 : i32 to index
      %get3A_196 = arith.index_cast %get3A_194 : i32 to index
      %get3A_197 = arith.constant 32 : index
      %get3A_198 = tpu.vector_load %arg4[%get3A_195, %get3A_196, %get3A_197] {strides = array<i32>} : memref<80x1x128xi32, #tpu.memory_space<vmem>>, vector<1x1x16xi32>,
      %get3A_199 = vector.shape_cast %get3A_198 : vector<1x1x16xi32> to vector<16xi32>
      %swap3A_200 = arith.constant 32 : index
      %swap3A_201 = tpu.vector_load %arg6[%swap3A_200] {strides = array<i32>} : memref<128xi32, #tpu.memory_space<vmem>>, vector<16xi32>,
      %swap3A_202 = vector.shape_cast %swap3A_201 : vector<16xi32> to vector<16xi32>
      %swap3A_203 = vector.shape_cast %get3A_199 : vector<16xi32> to vector<16xi32>
      tpu.vector_store %arg6[%swap3A_200], %swap3A_203 {strides = array<i32>} : memref<128xi32, #tpu.memory_space<vmem>>, vector<16xi32>,
      %add3A_204 = arith.constant 1 : i32
      %add3A_205 = arith.addi %mul3A_71, %add3A_204 : i32
      %get3A_206 = arith.constant 0 : i32
      %get3A_207 = arith.index_cast %add3A_205 : i32 to index
      %get3A_208 = arith.index_cast %get3A_206 : i32 to index
      %get3A_209 = arith.constant 48 : index
      %get3A_210 = tpu.vector_load %arg4[%get3A_207, %get3A_208, %get3A_209] {strides = array<i32>} : memref<80x1x128xi32, #tpu.memory_space<vmem>>, vector<1x1x16xi32>,
      %get3A_211 = vector.shape_cast %get3A_210 : vector<1x1x16xi32> to vector<16xi32>
      %swap3A_212 = arith.constant 48 : index
      %swap3A_213 = tpu.vector_load %arg6[%swap3A_212] {strides = array<i32>} : memref<128xi32, #tpu.memory_space<vmem>>, vector<16xi32>,
      %swap3A_214 = vector.shape_cast %swap3A_213 : vector<16xi32> to vector<16xi32>
      %swap3A_215 = vector.shape_cast %get3A_211 : vector<16xi32> to vector<16xi32>
      tpu.vector_store %arg6[%swap3A_212], %swap3A_215 {strides = array<i32>} : memref<128xi32, #tpu.memory_space<vmem>>, vector<16xi32>,
      %add3A_216 = arith.constant 1 : i32
      %add3A_217 = arith.addi %mul3A_71, %add3A_216 : i32
      %get3A_218 = arith.constant 0 : i32
      %get3A_219 = arith.index_cast %add3A_217 : i32 to index
      %get3A_220 = arith.index_cast %get3A_218 : i32 to index
      %get3A_221 = arith.constant 64 : index
      %get3A_222 = tpu.vector_load %arg4[%get3A_219, %get3A_220, %get3A_221] {strides = array<i32>} : memref<80x1x128xi32, #tpu.memory_space<vmem>>, vector<1x1x16xi32>,
      %get3A_223 = vector.shape_cast %get3A_222 : vector<1x1x16xi32> to vector<16xi32>
      %swap3A_224 = arith.constant 64 : index
      %swap3A_225 = tpu.vector_load %arg6[%swap3A_224] {strides = array<i32>} : memref<128xi32, #tpu.memory_space<vmem>>, vector<16xi32>,
      %swap3A_226 = vector.shape_cast %swap3A_225 : vector<16xi32> to vector<16xi32>
      %swap3A_227 = vector.shape_cast %get3A_223 : vector<16xi32> to vector<16xi32>
      tpu.vector_store %arg6[%swap3A_224], %swap3A_227 {strides = array<i32>} : memref<128xi32, #tpu.memory_space<vmem>>, vector<16xi32>,
      %add3A_228 = arith.constant 1 : i32
      %add3A_229 = arith.addi %mul3A_71, %add3A_228 : i32
      %get3A_230 = arith.constant 0 : i32
      %get3A_231 = arith.index_cast %add3A_229 : i32 to index
      %get3A_232 = arith.index_cast %get3A_230 : i32 to index
      %get3A_233 = arith.constant 80 : index
      %get3A_234 = tpu.vector_load %arg4[%get3A_231, %get3A_232, %get3A_233] {strides = array<i32>} : memref<80x1x128xi32, #tpu.memory_space<vmem>>, vector<1x1x16xi32>,
      %get3A_235 = vector.shape_cast %get3A_234 : vector<1x1x16xi32> to vector<16xi32>
      %swap3A_236 = arith.constant 80 : index
      %swap3A_237 = tpu.vector_load %arg6[%swap3A_236] {strides = array<i32>} : memref<128xi32, #tpu.memory_space<vmem>>, vector<16xi32>,
      %swap3A_238 = vector.shape_cast %swap3A_237 : vector<16xi32> to vector<16xi32>
      %swap3A_239 = vector.shape_cast %get3A_235 : vector<16xi32> to vector<16xi32>
      tpu.vector_store %arg6[%swap3A_236], %swap3A_239 {strides = array<i32>} : memref<128xi32, #tpu.memory_space<vmem>>, vector<16xi32>,
      %add3A_240 = arith.constant 1 : i32
      %add3A_241 = arith.addi %mul3A_71, %add3A_240 : i32
      %get3A_242 = arith.constant 0 : i32
      %get3A_243 = arith.index_cast %add3A_241 : i32 to index
      %get3A_244 = arith.index_cast %get3A_242 : i32 to index
      %get3A_245 = arith.constant 96 : index
      %get3A_246 = tpu.vector_load %arg4[%get3A_243, %get3A_244, %get3A_245] {strides = array<i32>} : memref<80x1x128xi32, #tpu.memory_space<vmem>>, vector<1x1x16xi32>,
      %get3A_247 = vector.shape_cast %get3A_246 : vector<1x1x16xi32> to vector<16xi32>
      %swap3A_248 = arith.constant 96 : index
      %swap3A_249 = tpu.vector_load %arg6[%swap3A_248] {strides = array<i32>} : memref<128xi32, #tpu.memory_space<vmem>>, vector<16xi32>,
      %swap3A_250 = vector.shape_cast %swap3A_249 : vector<16xi32> to vector<16xi32>
      %swap3A_251 = vector.shape_cast %get3A_247 : vector<16xi32> to vector<16xi32>
      tpu.vector_store %arg6[%swap3A_248], %swap3A_251 {strides = array<i32>} : memref<128xi32, #tpu.memory_space<vmem>>, vector<16xi32>,
      %add3A_252 = arith.constant 1 : i32
      %add3A_253 = arith.addi %mul3A_71, %add3A_252 : i32
      %get3A_254 = arith.constant 0 : i32
      %get3A_255 = arith.index_cast %add3A_253 : i32 to index
      %get3A_256 = arith.index_cast %get3A_254 : i32 to index
      %get3A_257 = arith.constant 112 : index
      %get3A_258 = tpu.vector_load %arg4[%get3A_255, %get3A_256, %get3A_257] {strides = array<i32>} : memref<80x1x128xi32, #tpu.memory_space<vmem>>, vector<1x1x16xi32>,
      %get3A_259 = vector.shape_cast %get3A_258 : vector<1x1x16xi32> to vector<16xi32>
      %swap3A_260 = arith.constant 112 : index
      %swap3A_261 = tpu.vector_load %arg6[%swap3A_260] {strides = array<i32>} : memref<128xi32, #tpu.memory_space<vmem>>, vector<16xi32>,
      %swap3A_262 = vector.shape_cast %swap3A_261 : vector<16xi32> to vector<16xi32>
      %swap3A_263 = vector.shape_cast %get3A_259 : vector<16xi32> to vector<16xi32>
      tpu.vector_store %arg6[%swap3A_260], %swap3A_263 {strides = array<i32>} : memref<128xi32, #tpu.memory_space<vmem>>, vector<16xi32>,
      %dma_start3A_264 = arith.constant 0 : i32
      %dma_start3A_265 = tpu.memref_slice %arg11[%dma_start3A_264] : memref<10240xf32, #tpu.memory_space<vmem_shared>> -> memref<10240xf32, #tpu.memory_space<vmem_shared>>
      tpu.enqueue_indirect_dma source(%arg9 : memref<128xf32, #tpu.memory_space<vmem>>) target(%dma_start3A_265 : memref<10240xf32, #tpu.memory_space<vmem_shared>>) offsets(%arg6 : memref<128xi32, #tpu.memory_space<vmem>>) semaphore(%arg12 : memref<!tpu.dma_semaphore, #tpu.memory_space<semaphore_mem>>) {add = true}
      %add3A_266 = arith.constant 2 : i32
      %add3A_267 = arith.addi %mul3A_71, %add3A_266 : i32
      %get3A_268 = arith.constant 0 : i32
      %get3A_269 = arith.index_cast %add3A_267 : i32 to index
      %get3A_270 = arith.index_cast %get3A_268 : i32 to index
      %get3A_271 = arith.constant 0 : index
      %get3A_272 = tpu.vector_load %arg4[%get3A_269, %get3A_270, %get3A_271] {strides = array<i32>} : memref<80x1x128xi32, #tpu.memory_space<vmem>>, vector<1x1x16xi32>,
      %get3A_273 = vector.shape_cast %get3A_272 : vector<1x1x16xi32> to vector<16xi32>
      %swap3A_274 = arith.constant 0 : index
      %swap3A_275 = tpu.vector_load %arg7[%swap3A_274] {strides = array<i32>} : memref<128xi32, #tpu.memory_space<vmem>>, vector<16xi32>,
      %swap3A_276 = vector.shape_cast %swap3A_275 : vector<16xi32> to vector<16xi32>
      %swap3A_277 = vector.shape_cast %get3A_273 : vector<16xi32> to vector<16xi32>
      tpu.vector_store %arg7[%swap3A_274], %swap3A_277 {strides = array<i32>} : memref<128xi32, #tpu.memory_space<vmem>>, vector<16xi32>,
      %add3A_278 = arith.constant 2 : i32
      %add3A_279 = arith.addi %mul3A_71, %add3A_278 : i32
      %get3A_280 = arith.constant 0 : i32
      %get3A_281 = arith.index_cast %add3A_279 : i32 to index
      %get3A_282 = arith.index_cast %get3A_280 : i32 to index
      %get3A_283 = arith.constant 16 : index
      %get3A_284 = tpu.vector_load %arg4[%get3A_281, %get3A_282, %get3A_283] {strides = array<i32>} : memref<80x1x128xi32, #tpu.memory_space<vmem>>, vector<1x1x16xi32>,
      %get3A_285 = vector.shape_cast %get3A_284 : vector<1x1x16xi32> to vector<16xi32>
      %swap3A_286 = arith.constant 16 : index
      %swap3A_287 = tpu.vector_load %arg7[%swap3A_286] {strides = array<i32>} : memref<128xi32, #tpu.memory_space<vmem>>, vector<16xi32>,
      %swap3A_288 = vector.shape_cast %swap3A_287 : vector<16xi32> to vector<16xi32>
      %swap3A_289 = vector.shape_cast %get3A_285 : vector<16xi32> to vector<16xi32>
      tpu.vector_store %arg7[%swap3A_286], %swap3A_289 {strides = array<i32>} : memref<128xi32, #tpu.memory_space<vmem>>, vector<16xi32>,
      %add3A_290 = arith.constant 2 : i32
      %add3A_291 = arith.addi %mul3A_71, %add3A_290 : i32
      %get3A_292 = arith.constant 0 : i32
      %get3A_293 = arith.index_cast %add3A_291 : i32 to index
      %get3A_294 = arith.index_cast %get3A_292 : i32 to index
      %get3A_295 = arith.constant 32 : index
      %get3A_296 = tpu.vector_load %arg4[%get3A_293, %get3A_294, %get3A_295] {strides = array<i32>} : memref<80x1x128xi32, #tpu.memory_space<vmem>>, vector<1x1x16xi32>,
      %get3A_297 = vector.shape_cast %get3A_296 : vector<1x1x16xi32> to vector<16xi32>
      %swap3A_298 = arith.constant 32 : index
      %swap3A_299 = tpu.vector_load %arg7[%swap3A_298] {strides = array<i32>} : memref<128xi32, #tpu.memory_space<vmem>>, vector<16xi32>,
      %swap3A_300 = vector.shape_cast %swap3A_299 : vector<16xi32> to vector<16xi32>
      %swap3A_301 = vector.shape_cast %get3A_297 : vector<16xi32> to vector<16xi32>
      tpu.vector_store %arg7[%swap3A_298], %swap3A_301 {strides = array<i32>} : memref<128xi32, #tpu.memory_space<vmem>>, vector<16xi32>,
      %add3A_302 = arith.constant 2 : i32
      %add3A_303 = arith.addi %mul3A_71, %add3A_302 : i32
      %get3A_304 = arith.constant 0 : i32
      %get3A_305 = arith.index_cast %add3A_303 : i32 to index
      %get3A_306 = arith.index_cast %get3A_304 : i32 to index
      %get3A_307 = arith.constant 48 : index
      %get3A_308 = tpu.vector_load %arg4[%get3A_305, %get3A_306, %get3A_307] {strides = array<i32>} : memref<80x1x128xi32, #tpu.memory_space<vmem>>, vector<1x1x16xi32>,
      %get3A_309 = vector.shape_cast %get3A_308 : vector<1x1x16xi32> to vector<16xi32>
      %swap3A_310 = arith.constant 48 : index
      %swap3A_311 = tpu.vector_load %arg7[%swap3A_310] {strides = array<i32>} : memref<128xi32, #tpu.memory_space<vmem>>, vector<16xi32>,
      %swap3A_312 = vector.shape_cast %swap3A_311 : vector<16xi32> to vector<16xi32>
      %swap3A_313 = vector.shape_cast %get3A_309 : vector<16xi32> to vector<16xi32>
      tpu.vector_store %arg7[%swap3A_310], %swap3A_313 {strides = array<i32>} : memref<128xi32, #tpu.memory_space<vmem>>, vector<16xi32>,
      %add3A_314 = arith.constant 2 : i32
      %add3A_315 = arith.addi %mul3A_71, %add3A_314 : i32
      %get3A_316 = arith.constant 0 : i32
      %get3A_317 = arith.index_cast %add3A_315 : i32 to index
      %get3A_318 = arith.index_cast %get3A_316 : i32 to index
      %get3A_319 = arith.constant 64 : index
      %get3A_320 = tpu.vector_load %arg4[%get3A_317, %get3A_318, %get3A_319] {strides = array<i32>} : memref<80x1x128xi32, #tpu.memory_space<vmem>>, vector<1x1x16xi32>,
      %get3A_321 = vector.shape_cast %get3A_320 : vector<1x1x16xi32> to vector<16xi32>
      %swap3A_322 = arith.constant 64 : index
      %swap3A_323 = tpu.vector_load %arg7[%swap3A_322] {strides = array<i32>} : memref<128xi32, #tpu.memory_space<vmem>>, vector<16xi32>,
      %swap3A_324 = vector.shape_cast %swap3A_323 : vector<16xi32> to vector<16xi32>
      %swap3A_325 = vector.shape_cast %get3A_321 : vector<16xi32> to vector<16xi32>
      tpu.vector_store %arg7[%swap3A_322], %swap3A_325 {strides = array<i32>} : memref<128xi32, #tpu.memory_space<vmem>>, vector<16xi32>,
      %add3A_326 = arith.constant 2 : i32
      %add3A_327 = arith.addi %mul3A_71, %add3A_326 : i32
      %get3A_328 = arith.constant 0 : i32
      %get3A_329 = arith.index_cast %add3A_327 : i32 to index
      %get3A_330 = arith.index_cast %get3A_328 : i32 to index
      %get3A_331 = arith.constant 80 : index
      %get3A_332 = tpu.vector_load %arg4[%get3A_329, %get3A_330, %get3A_331] {strides = array<i32>} : memref<80x1x128xi32, #tpu.memory_space<vmem>>, vector<1x1x16xi32>,
      %get3A_333 = vector.shape_cast %get3A_332 : vector<1x1x16xi32> to vector<16xi32>
      %swap3A_334 = arith.constant 80 : index
      %swap3A_335 = tpu.vector_load %arg7[%swap3A_334] {strides = array<i32>} : memref<128xi32, #tpu.memory_space<vmem>>, vector<16xi32>,
      %swap3A_336 = vector.shape_cast %swap3A_335 : vector<16xi32> to vector<16xi32>
      %swap3A_337 = vector.shape_cast %get3A_333 : vector<16xi32> to vector<16xi32>
      tpu.vector_store %arg7[%swap3A_334], %swap3A_337 {strides = array<i32>} : memref<128xi32, #tpu.memory_space<vmem>>, vector<16xi32>,
      %add3A_338 = arith.constant 2 : i32
      %add3A_339 = arith.addi %mul3A_71, %add3A_338 : i32
      %get3A_340 = arith.constant 0 : i32
      %get3A_341 = arith.index_cast %add3A_339 : i32 to index
      %get3A_342 = arith.index_cast %get3A_340 : i32 to index
      %get3A_343 = arith.constant 96 : index
      %get3A_344 = tpu.vector_load %arg4[%get3A_341, %get3A_342, %get3A_343] {strides = array<i32>} : memref<80x1x128xi32, #tpu.memory_space<vmem>>, vector<1x1x16xi32>,
      %get3A_345 = vector.shape_cast %get3A_344 : vector<1x1x16xi32> to vector<16xi32>
      %swap3A_346 = arith.constant 96 : index
      %swap3A_347 = tpu.vector_load %arg7[%swap3A_346] {strides = array<i32>} : memref<128xi32, #tpu.memory_space<vmem>>, vector<16xi32>,
      %swap3A_348 = vector.shape_cast %swap3A_347 : vector<16xi32> to vector<16xi32>
      %swap3A_349 = vector.shape_cast %get3A_345 : vector<16xi32> to vector<16xi32>
      tpu.vector_store %arg7[%swap3A_346], %swap3A_349 {strides = array<i32>} : memref<128xi32, #tpu.memory_space<vmem>>, vector<16xi32>,
      %add3A_350 = arith.constant 2 : i32
      %add3A_351 = arith.addi %mul3A_71, %add3A_350 : i32
      %get3A_352 = arith.constant 0 : i32
      %get3A_353 = arith.index_cast %add3A_351 : i32 to index
      %get3A_354 = arith.index_cast %get3A_352 : i32 to index
      %get3A_355 = arith.constant 112 : index
      %get3A_356 = tpu.vector_load %arg4[%get3A_353, %get3A_354, %get3A_355] {strides = array<i32>} : memref<80x1x128xi32, #tpu.memory_space<vmem>>, vector<1x1x16xi32>,
      %get3A_357 = vector.shape_cast %get3A_356 : vector<1x1x16xi32> to vector<16xi32>
      %swap3A_358 = arith.constant 112 : index
      %swap3A_359 = tpu.vector_load %arg7[%swap3A_358] {strides = array<i32>} : memref<128xi32, #tpu.memory_space<vmem>>, vector<16xi32>,
      %swap3A_360 = vector.shape_cast %swap3A_359 : vector<16xi32> to vector<16xi32>
      %swap3A_361 = vector.shape_cast %get3A_357 : vector<16xi32> to vector<16xi32>
      tpu.vector_store %arg7[%swap3A_358], %swap3A_361 {strides = array<i32>} : memref<128xi32, #tpu.memory_space<vmem>>, vector<16xi32>,
      %dma_start3A_362 = arith.constant 0 : i32
      %dma_start3A_363 = tpu.memref_slice %arg11[%dma_start3A_362] : memref<10240xf32, #tpu.memory_space<vmem_shared>> -> memref<10240xf32, #tpu.memory_space<vmem_shared>>
      tpu.enqueue_indirect_dma source(%arg9 : memref<128xf32, #tpu.memory_space<vmem>>) target(%dma_start3A_363 : memref<10240xf32, #tpu.memory_space<vmem_shared>>) offsets(%arg7 : memref<128xi32, #tpu.memory_space<vmem>>) semaphore(%arg12 : memref<!tpu.dma_semaphore, #tpu.memory_space<semaphore_mem>>) {add = true}
      %add3A_364 = arith.constant 3 : i32
      %add3A_365 = arith.addi %mul3A_71, %add3A_364 : i32
      %get3A_366 = arith.constant 0 : i32
      %get3A_367 = arith.index_cast %add3A_365 : i32 to index
      %get3A_368 = arith.index_cast %get3A_366 : i32 to index
      %get3A_369 = arith.constant 0 : index
      %get3A_370 = tpu.vector_load %arg4[%get3A_367, %get3A_368, %get3A_369] {strides = array<i32>} : memref<80x1x128xi32, #tpu.memory_space<vmem>>, vector<1x1x16xi32>,
      %get3A_371 = vector.shape_cast %get3A_370 : vector<1x1x16xi32> to vector<16xi32>
      %swap3A_372 = arith.constant 0 : index
      %swap3A_373 = tpu.vector_load %arg8[%swap3A_372] {strides = array<i32>} : memref<128xi32, #tpu.memory_space<vmem>>, vector<16xi32>,
      %swap3A_374 = vector.shape_cast %swap3A_373 : vector<16xi32> to vector<16xi32>
      %swap3A_375 = vector.shape_cast %get3A_371 : vector<16xi32> to vector<16xi32>
      tpu.vector_store %arg8[%swap3A_372], %swap3A_375 {strides = array<i32>} : memref<128xi32, #tpu.memory_space<vmem>>, vector<16xi32>,
      %add3A_376 = arith.constant 3 : i32
      %add3A_377 = arith.addi %mul3A_71, %add3A_376 : i32
      %get3A_378 = arith.constant 0 : i32
      %get3A_379 = arith.index_cast %add3A_377 : i32 to index
      %get3A_380 = arith.index_cast %get3A_378 : i32 to index
      %get3A_381 = arith.constant 16 : index
      %get3A_382 = tpu.vector_load %arg4[%get3A_379, %get3A_380, %get3A_381] {strides = array<i32>} : memref<80x1x128xi32, #tpu.memory_space<vmem>>, vector<1x1x16xi32>,
      %get3A_383 = vector.shape_cast %get3A_382 : vector<1x1x16xi32> to vector<16xi32>
      %swap3A_384 = arith.constant 16 : index
      %swap3A_385 = tpu.vector_load %arg8[%swap3A_384] {strides = array<i32>} : memref<128xi32, #tpu.memory_space<vmem>>, vector<16xi32>,
      %swap3A_386 = vector.shape_cast %swap3A_385 : vector<16xi32> to vector<16xi32>
      %swap3A_387 = vector.shape_cast %get3A_383 : vector<16xi32> to vector<16xi32>
      tpu.vector_store %arg8[%swap3A_384], %swap3A_387 {strides = array<i32>} : memref<128xi32, #tpu.memory_space<vmem>>, vector<16xi32>,
      %add3A_388 = arith.constant 3 : i32
      %add3A_389 = arith.addi %mul3A_71, %add3A_388 : i32
      %get3A_390 = arith.constant 0 : i32
      %get3A_391 = arith.index_cast %add3A_389 : i32 to index
      %get3A_392 = arith.index_cast %get3A_390 : i32 to index
      %get3A_393 = arith.constant 32 : index
      %get3A_394 = tpu.vector_load %arg4[%get3A_391, %get3A_392, %get3A_393] {strides = array<i32>} : memref<80x1x128xi32, #tpu.memory_space<vmem>>, vector<1x1x16xi32>,
      %get3A_395 = vector.shape_cast %get3A_394 : vector<1x1x16xi32> to vector<16xi32>
      %swap3A_396 = arith.constant 32 : index
      %swap3A_397 = tpu.vector_load %arg8[%swap3A_396] {strides = array<i32>} : memref<128xi32, #tpu.memory_space<vmem>>, vector<16xi32>,
      %swap3A_398 = vector.shape_cast %swap3A_397 : vector<16xi32> to vector<16xi32>
      %swap3A_399 = vector.shape_cast %get3A_395 : vector<16xi32> to vector<16xi32>
      tpu.vector_store %arg8[%swap3A_396], %swap3A_399 {strides = array<i32>} : memref<128xi32, #tpu.memory_space<vmem>>, vector<16xi32>,
      %add3A_400 = arith.constant 3 : i32
      %add3A_401 = arith.addi %mul3A_71, %add3A_400 : i32
      %get3A_402 = arith.constant 0 : i32
      %get3A_403 = arith.index_cast %add3A_401 : i32 to index
      %get3A_404 = arith.index_cast %get3A_402 : i32 to index
      %get3A_405 = arith.constant 48 : index
      %get3A_406 = tpu.vector_load %arg4[%get3A_403, %get3A_404, %get3A_405] {strides = array<i32>} : memref<80x1x128xi32, #tpu.memory_space<vmem>>, vector<1x1x16xi32>,
      %get3A_407 = vector.shape_cast %get3A_406 : vector<1x1x16xi32> to vector<16xi32>
      %swap3A_408 = arith.constant 48 : index
      %swap3A_409 = tpu.vector_load %arg8[%swap3A_408] {strides = array<i32>} : memref<128xi32, #tpu.memory_space<vmem>>, vector<16xi32>,
      %swap3A_410 = vector.shape_cast %swap3A_409 : vector<16xi32> to vector<16xi32>
      %swap3A_411 = vector.shape_cast %get3A_407 : vector<16xi32> to vector<16xi32>
      tpu.vector_store %arg8[%swap3A_408], %swap3A_411 {strides = array<i32>} : memref<128xi32, #tpu.memory_space<vmem>>, vector<16xi32>,
      %add3A_412 = arith.constant 3 : i32
      %add3A_413 = arith.addi %mul3A_71, %add3A_412 : i32
      %get3A_414 = arith.constant 0 : i32
      %get3A_415 = arith.index_cast %add3A_413 : i32 to index
      %get3A_416 = arith.index_cast %get3A_414 : i32 to index
      %get3A_417 = arith.constant 64 : index
      %get3A_418 = tpu.vector_load %arg4[%get3A_415, %get3A_416, %get3A_417] {strides = array<i32>} : memref<80x1x128xi32, #tpu.memory_space<vmem>>, vector<1x1x16xi32>,
      %get3A_419 = vector.shape_cast %get3A_418 : vector<1x1x16xi32> to vector<16xi32>
      %swap3A_420 = arith.constant 64 : index
      %swap3A_421 = tpu.vector_load %arg8[%swap3A_420] {strides = array<i32>} : memref<128xi32, #tpu.memory_space<vmem>>, vector<16xi32>,
      %swap3A_422 = vector.shape_cast %swap3A_421 : vector<16xi32> to vector<16xi32>
      %swap3A_423 = vector.shape_cast %get3A_419 : vector<16xi32> to vector<16xi32>
      tpu.vector_store %arg8[%swap3A_420], %swap3A_423 {strides = array<i32>} : memref<128xi32, #tpu.memory_space<vmem>>, vector<16xi32>,
      %add3A_424 = arith.constant 3 : i32
      %add3A_425 = arith.addi %mul3A_71, %add3A_424 : i32
      %get3A_426 = arith.constant 0 : i32
      %get3A_427 = arith.index_cast %add3A_425 : i32 to index
      %get3A_428 = arith.index_cast %get3A_426 : i32 to index
      %get3A_429 = arith.constant 80 : index
      %get3A_430 = tpu.vector_load %arg4[%get3A_427, %get3A_428, %get3A_429] {strides = array<i32>} : memref<80x1x128xi32, #tpu.memory_space<vmem>>, vector<1x1x16xi32>,
      %get3A_431 = vector.shape_cast %get3A_430 : vector<1x1x16xi32> to vector<16xi32>
      %swap3A_432 = arith.constant 80 : index
      %swap3A_433 = tpu.vector_load %arg8[%swap3A_432] {strides = array<i32>} : memref<128xi32, #tpu.memory_space<vmem>>, vector<16xi32>,
      %swap3A_434 = vector.shape_cast %swap3A_433 : vector<16xi32> to vector<16xi32>
      %swap3A_435 = vector.shape_cast %get3A_431 : vector<16xi32> to vector<16xi32>
      tpu.vector_store %arg8[%swap3A_432], %swap3A_435 {strides = array<i32>} : memref<128xi32, #tpu.memory_space<vmem>>, vector<16xi32>,
      %add3A_436 = arith.constant 3 : i32
      %add3A_437 = arith.addi %mul3A_71, %add3A_436 : i32
      %get3A_438 = arith.constant 0 : i32
      %get3A_439 = arith.index_cast %add3A_437 : i32 to index
      %get3A_440 = arith.index_cast %get3A_438 : i32 to index
      %get3A_441 = arith.constant 96 : index
      %get3A_442 = tpu.vector_load %arg4[%get3A_439, %get3A_440, %get3A_441] {strides = array<i32>} : memref<80x1x128xi32, #tpu.memory_space<vmem>>, vector<1x1x16xi32>,
      %get3A_443 = vector.shape_cast %get3A_442 : vector<1x1x16xi32> to vector<16xi32>
      %swap3A_444 = arith.constant 96 : index
      %swap3A_445 = tpu.vector_load %arg8[%swap3A_444] {strides = array<i32>} : memref<128xi32, #tpu.memory_space<vmem>>, vector<16xi32>,
      %swap3A_446 = vector.shape_cast %swap3A_445 : vector<16xi32> to vector<16xi32>
      %swap3A_447 = vector.shape_cast %get3A_443 : vector<16xi32> to vector<16xi32>
      tpu.vector_store %arg8[%swap3A_444], %swap3A_447 {strides = array<i32>} : memref<128xi32, #tpu.memory_space<vmem>>, vector<16xi32>,
      %add3A_448 = arith.constant 3 : i32
      %add3A_449 = arith.addi %mul3A_71, %add3A_448 : i32
      %get3A_450 = arith.constant 0 : i32
      %get3A_451 = arith.index_cast %add3A_449 : i32 to index
      %get3A_452 = arith.index_cast %get3A_450 : i32 to index
      %get3A_453 = arith.constant 112 : index
      %get3A_454 = tpu.vector_load %arg4[%get3A_451, %get3A_452, %get3A_453] {strides = array<i32>} : memref<80x1x128xi32, #tpu.memory_space<vmem>>, vector<1x1x16xi32>,
      %get3A_455 = vector.shape_cast %get3A_454 : vector<1x1x16xi32> to vector<16xi32>
      %swap3A_456 = arith.constant 112 : index
      %swap3A_457 = tpu.vector_load %arg8[%swap3A_456] {strides = array<i32>} : memref<128xi32, #tpu.memory_space<vmem>>, vector<16xi32>,
      %swap3A_458 = vector.shape_cast %swap3A_457 : vector<16xi32> to vector<16xi32>
      %swap3A_459 = vector.shape_cast %get3A_455 : vector<16xi32> to vector<16xi32>
      tpu.vector_store %arg8[%swap3A_456], %swap3A_459 {strides = array<i32>} : memref<128xi32, #tpu.memory_space<vmem>>, vector<16xi32>,
      %dma_start3A_460 = arith.constant 0 : i32
      %dma_start3A_461 = tpu.memref_slice %arg11[%dma_start3A_460] : memref<10240xf32, #tpu.memory_space<vmem_shared>> -> memref<10240xf32, #tpu.memory_space<vmem_shared>>
      tpu.enqueue_indirect_dma source(%arg9 : memref<128xf32, #tpu.memory_space<vmem>>) target(%dma_start3A_461 : memref<10240xf32, #tpu.memory_space<vmem_shared>>) offsets(%arg8 : memref<128xi32, #tpu.memory_space<vmem>>) semaphore(%arg12 : memref<!tpu.dma_semaphore, #tpu.memory_space<semaphore_mem>>) {add = true}
      %dma_wait3A = arith.constant 0 : i32
      %dma_wait3A_462 = tpu.memref_slice %arg11[%dma_wait3A] : memref<10240xf32, #tpu.memory_space<vmem_shared>> -> memref<10240xf32, #tpu.memory_space<vmem_shared>>
      tpu.wait_indirect_dma semaphore(%arg12 : memref<!tpu.dma_semaphore, #tpu.memory_space<semaphore_mem>>) src(%arg9 : memref<128xf32, #tpu.memory_space<vmem>>) dst(%dma_wait3A_462 : memref<10240xf32, #tpu.memory_space<vmem_shared>>)
      %dma_wait3A_463 = arith.constant 0 : i32
      %dma_wait3A_464 = tpu.memref_slice %arg11[%dma_wait3A_463] : memref<10240xf32, #tpu.memory_space<vmem_shared>> -> memref<10240xf32, #tpu.memory_space<vmem_shared>>
      tpu.wait_indirect_dma semaphore(%arg12 : memref<!tpu.dma_semaphore, #tpu.memory_space<semaphore_mem>>) src(%arg9 : memref<128xf32, #tpu.memory_space<vmem>>) dst(%dma_wait3A_464 : memref<10240xf32, #tpu.memory_space<vmem_shared>>)
      %dma_wait3A_465 = arith.constant 0 : i32
      %dma_wait3A_466 = tpu.memref_slice %arg11[%dma_wait3A_465] : memref<10240xf32, #tpu.memory_space<vmem_shared>> -> memref<10240xf32, #tpu.memory_space<vmem_shared>>
      tpu.wait_indirect_dma semaphore(%arg12 : memref<!tpu.dma_semaphore, #tpu.memory_space<semaphore_mem>>) src(%arg9 : memref<128xf32, #tpu.memory_space<vmem>>) dst(%dma_wait3A_466 : memref<10240xf32, #tpu.memory_space<vmem_shared>>)
      %dma_wait3A_467 = arith.constant 0 : i32
      %dma_wait3A_468 = tpu.memref_slice %arg11[%dma_wait3A_467] : memref<10240xf32, #tpu.memory_space<vmem_shared>> -> memref<10240xf32, #tpu.memory_space<vmem_shared>>
      tpu.wait_indirect_dma semaphore(%arg12 : memref<!tpu.dma_semaphore, #tpu.memory_space<semaphore_mem>>) src(%arg9 : memref<128xf32, #tpu.memory_space<vmem>>) dst(%dma_wait3A_468 : memref<10240xf32, #tpu.memory_space<vmem_shared>>)
    }
    %scan3A_59 = arith.constant 20 : i32
    %barrier3A_60 = arith.constant 0 : index
    tpu.barrier barrier_id(%barrier3A_60)
    %mul3A_61 = arith.constant 640 : i32
    %mul3A_62 = arith.muli %arg1, %mul3A_61 : i32
    %mul3A_63 = arith.constant 640 : i32
    %mul3A_64 = arith.muli %arg1, %mul3A_63 : i32
    %run_scoped3A = arith.constant 0 : i32
    "tpu.region"() ({
      %run_scoped3A_65 = tpu.sem_alloc : memref<!tpu.dma_semaphore, #tpu.memory_space<semaphore_mem>>
      %dma_start3A = tpu.memref_slice %arg3[%arg0, %run_scoped3A, %mul3A_64] : memref<2x1x10240xf32, #tpu.memory_space<hbm>> -> memref<1x1x640xf32, #tpu.memory_space<hbm>>
      %dma_start3A_66 = tpu.memref_squeeze %dma_start3A : memref<1x1x640xf32, #tpu.memory_space<hbm>> -> memref<640xf32, #tpu.memory_space<hbm>>
      %dma_start3A_67 = tpu.memref_slice %arg11[%mul3A_62] : memref<10240xf32, #tpu.memory_space<vmem_shared>> -> memref<640xf32, #tpu.memory_space<vmem_shared>>
      tpu.enqueue_dma source(%dma_start3A_67 : memref<640xf32, #tpu.memory_space<vmem_shared>>) target(%dma_start3A_66 : memref<640xf32, #tpu.memory_space<hbm>>) target_semaphore(%run_scoped3A_65 : memref<!tpu.dma_semaphore, #tpu.memory_space<semaphore_mem>>)
      %dma_wait3A = tpu.memref_slice %arg3[%arg0, %run_scoped3A, %mul3A_64] : memref<2x1x10240xf32, #tpu.memory_space<hbm>> -> memref<1x1x640xf32, #tpu.memory_space<hbm>>
      %dma_wait3A_68 = tpu.memref_squeeze %dma_wait3A : memref<1x1x640xf32, #tpu.memory_space<hbm>> -> memref<640xf32, #tpu.memory_space<hbm>>
      %dma_wait3A_69 = tpu.memref_slice %arg11[%mul3A_62] : memref<10240xf32, #tpu.memory_space<vmem_shared>> -> memref<640xf32, #tpu.memory_space<vmem_shared>>
      tpu.wait_dma2 semaphore(%run_scoped3A_65 : memref<!tpu.dma_semaphore, #tpu.memory_space<semaphore_mem>>) src(%dma_wait3A_69 : memref<640xf32, #tpu.memory_space<vmem_shared>>) dst(%dma_wait3A_68 : memref<640xf32, #tpu.memory_space<hbm>>)
      tpu.yield
    }) : () -> ()
    return
  }
}

#map = affine_map<(d0, d1) -> (0, 0)>
#map1 = affine_map<(d0, d1) -> (0, 0, 0)>
module attributes {stable_mosaic.version = 14 : i64} {
  func.func @_hop_kernel(%arg0: i32, %arg1: i32, %arg2: memref<10240x128xf32, #tpu.memory_space<hbm>>, %arg3: memref<2560x1x128xi32, #tpu.memory_space<hbm>>, %arg4: memref<2560x1x128xi32, #tpu.memory_space<hbm>>, %arg5: memref<2x10240x128xf32, #tpu.memory_space<hbm>>, %arg6: memref<80x1x128xi32, #tpu.memory_space<vmem>>, %arg7: memref<80x1x128xi32, #tpu.memory_space<vmem>>, %arg8: memref<128xi32, #tpu.memory_space<vmem>>, %arg9: memref<128xi32, #tpu.memory_space<vmem>>, %arg10: memref<128x128xf32, #tpu.memory_space<vmem>>, %arg11: memref<10240x128xf32, #tpu.memory_space<vmem_shared>>, %arg12: memref<!tpu.dma_semaphore, #tpu.memory_space<semaphore_mem>>, %arg13: memref<!tpu.dma_semaphore, #tpu.memory_space<semaphore_mem>>) attributes {dimension_semantics = [#tpu.dimension_semantics<core_parallel>, #tpu.dimension_semantics<subcore_parallel>], iteration_bounds = array<i64: 2, 16>, scalar_prefetch = 0 : i64, scratch_operands = 8 : i64, tpu.core_type = #tpu.core_type<sc_vector_subcore>, window_params = [{transform_indices = #map}, {transform_indices = #map1}, {transform_indices = #map1}, {transform_indices = #map1}]} {
    %mul3A = arith.constant 16 : i32
    %mul3A_0 = arith.muli %arg0, %mul3A : i32
    %add3A = arith.addi %mul3A_0, %arg1 : i32
    %scan3A = arith.constant 0 : i32
    %scan3A_1 = arith.constant 128 : i32
    %scan3A_2 = arith.addi %scan3A, %scan3A_1 : i32
    %scan3A_3 = arith.constant 1 : i32
    scf.for %scan3A_39 = %scan3A to %scan3A_2 step %scan3A_3  : i32 {
      %mul3A_40 = arith.constant 1 : i32
      %mul3A_41 = arith.muli %scan3A_39, %mul3A_40 : i32
      %add3A_42 = arith.constant 0 : i32
      %add3A_43 = arith.addi %add3A_42, %mul3A_41 : i32
      %broadcast_in_dim3A = arith.constant 0.000000e+00 : f32
      %broadcast_in_dim3A_44 = vector.broadcast %broadcast_in_dim3A : f32 to vector<16xf32>
      %swap3A = arith.index_cast %add3A_43 : i32 to index
      %swap3A_45 = arith.constant 0 : index
      %swap3A_46 = tpu.vector_load %arg10[%swap3A, %swap3A_45] {strides = array<i32>} : memref<128x128xf32, #tpu.memory_space<vmem>>, vector<1x16xf32>,
      %swap3A_47 = vector.shape_cast %swap3A_46 : vector<1x16xf32> to vector<16xf32>
      %swap3A_48 = vector.shape_cast %broadcast_in_dim3A_44 : vector<16xf32> to vector<1x16xf32>
      tpu.vector_store %arg10[%swap3A, %swap3A_45], %swap3A_48 {strides = array<i32>} : memref<128x128xf32, #tpu.memory_space<vmem>>, vector<1x16xf32>,
      %broadcast_in_dim3A_49 = arith.constant 0.000000e+00 : f32
      %broadcast_in_dim3A_50 = vector.broadcast %broadcast_in_dim3A_49 : f32 to vector<16xf32>
      %swap3A_51 = arith.index_cast %add3A_43 : i32 to index
      %swap3A_52 = arith.constant 16 : index
      %swap3A_53 = tpu.vector_load %arg10[%swap3A_51, %swap3A_52] {strides = array<i32>} : memref<128x128xf32, #tpu.memory_space<vmem>>, vector<1x16xf32>,
      %swap3A_54 = vector.shape_cast %swap3A_53 : vector<1x16xf32> to vector<16xf32>
      %swap3A_55 = vector.shape_cast %broadcast_in_dim3A_50 : vector<16xf32> to vector<1x16xf32>
      tpu.vector_store %arg10[%swap3A_51, %swap3A_52], %swap3A_55 {strides = array<i32>} : memref<128x128xf32, #tpu.memory_space<vmem>>, vector<1x16xf32>,
      %broadcast_in_dim3A_56 = arith.constant 0.000000e+00 : f32
      %broadcast_in_dim3A_57 = vector.broadcast %broadcast_in_dim3A_56 : f32 to vector<16xf32>
      %swap3A_58 = arith.index_cast %add3A_43 : i32 to index
      %swap3A_59 = arith.constant 32 : index
      %swap3A_60 = tpu.vector_load %arg10[%swap3A_58, %swap3A_59] {strides = array<i32>} : memref<128x128xf32, #tpu.memory_space<vmem>>, vector<1x16xf32>,
      %swap3A_61 = vector.shape_cast %swap3A_60 : vector<1x16xf32> to vector<16xf32>
      %swap3A_62 = vector.shape_cast %broadcast_in_dim3A_57 : vector<16xf32> to vector<1x16xf32>
      tpu.vector_store %arg10[%swap3A_58, %swap3A_59], %swap3A_62 {strides = array<i32>} : memref<128x128xf32, #tpu.memory_space<vmem>>, vector<1x16xf32>,
      %broadcast_in_dim3A_63 = arith.constant 0.000000e+00 : f32
      %broadcast_in_dim3A_64 = vector.broadcast %broadcast_in_dim3A_63 : f32 to vector<16xf32>
      %swap3A_65 = arith.index_cast %add3A_43 : i32 to index
      %swap3A_66 = arith.constant 48 : index
      %swap3A_67 = tpu.vector_load %arg10[%swap3A_65, %swap3A_66] {strides = array<i32>} : memref<128x128xf32, #tpu.memory_space<vmem>>, vector<1x16xf32>,
      %swap3A_68 = vector.shape_cast %swap3A_67 : vector<1x16xf32> to vector<16xf32>
      %swap3A_69 = vector.shape_cast %broadcast_in_dim3A_64 : vector<16xf32> to vector<1x16xf32>
      tpu.vector_store %arg10[%swap3A_65, %swap3A_66], %swap3A_69 {strides = array<i32>} : memref<128x128xf32, #tpu.memory_space<vmem>>, vector<1x16xf32>,
      %broadcast_in_dim3A_70 = arith.constant 0.000000e+00 : f32
      %broadcast_in_dim3A_71 = vector.broadcast %broadcast_in_dim3A_70 : f32 to vector<16xf32>
      %swap3A_72 = arith.index_cast %add3A_43 : i32 to index
      %swap3A_73 = arith.constant 64 : index
      %swap3A_74 = tpu.vector_load %arg10[%swap3A_72, %swap3A_73] {strides = array<i32>} : memref<128x128xf32, #tpu.memory_space<vmem>>, vector<1x16xf32>,
      %swap3A_75 = vector.shape_cast %swap3A_74 : vector<1x16xf32> to vector<16xf32>
      %swap3A_76 = vector.shape_cast %broadcast_in_dim3A_71 : vector<16xf32> to vector<1x16xf32>
      tpu.vector_store %arg10[%swap3A_72, %swap3A_73], %swap3A_76 {strides = array<i32>} : memref<128x128xf32, #tpu.memory_space<vmem>>, vector<1x16xf32>,
      %broadcast_in_dim3A_77 = arith.constant 0.000000e+00 : f32
      %broadcast_in_dim3A_78 = vector.broadcast %broadcast_in_dim3A_77 : f32 to vector<16xf32>
      %swap3A_79 = arith.index_cast %add3A_43 : i32 to index
      %swap3A_80 = arith.constant 80 : index
      %swap3A_81 = tpu.vector_load %arg10[%swap3A_79, %swap3A_80] {strides = array<i32>} : memref<128x128xf32, #tpu.memory_space<vmem>>, vector<1x16xf32>,
      %swap3A_82 = vector.shape_cast %swap3A_81 : vector<1x16xf32> to vector<16xf32>
      %swap3A_83 = vector.shape_cast %broadcast_in_dim3A_78 : vector<16xf32> to vector<1x16xf32>
      tpu.vector_store %arg10[%swap3A_79, %swap3A_80], %swap3A_83 {strides = array<i32>} : memref<128x128xf32, #tpu.memory_space<vmem>>, vector<1x16xf32>,
      %broadcast_in_dim3A_84 = arith.constant 0.000000e+00 : f32
      %broadcast_in_dim3A_85 = vector.broadcast %broadcast_in_dim3A_84 : f32 to vector<16xf32>
      %swap3A_86 = arith.index_cast %add3A_43 : i32 to index
      %swap3A_87 = arith.constant 96 : index
      %swap3A_88 = tpu.vector_load %arg10[%swap3A_86, %swap3A_87] {strides = array<i32>} : memref<128x128xf32, #tpu.memory_space<vmem>>, vector<1x16xf32>,
      %swap3A_89 = vector.shape_cast %swap3A_88 : vector<1x16xf32> to vector<16xf32>
      %swap3A_90 = vector.shape_cast %broadcast_in_dim3A_85 : vector<16xf32> to vector<1x16xf32>
      tpu.vector_store %arg10[%swap3A_86, %swap3A_87], %swap3A_90 {strides = array<i32>} : memref<128x128xf32, #tpu.memory_space<vmem>>, vector<1x16xf32>,
      %broadcast_in_dim3A_91 = arith.constant 0.000000e+00 : f32
      %broadcast_in_dim3A_92 = vector.broadcast %broadcast_in_dim3A_91 : f32 to vector<16xf32>
      %swap3A_93 = arith.index_cast %add3A_43 : i32 to index
      %swap3A_94 = arith.constant 112 : index
      %swap3A_95 = tpu.vector_load %arg10[%swap3A_93, %swap3A_94] {strides = array<i32>} : memref<128x128xf32, #tpu.memory_space<vmem>>, vector<1x16xf32>,
      %swap3A_96 = vector.shape_cast %swap3A_95 : vector<1x16xf32> to vector<16xf32>
      %swap3A_97 = vector.shape_cast %broadcast_in_dim3A_92 : vector<16xf32> to vector<1x16xf32>
      tpu.vector_store %arg10[%swap3A_93, %swap3A_94], %swap3A_97 {strides = array<i32>} : memref<128x128xf32, #tpu.memory_space<vmem>>, vector<1x16xf32>,
    }
    %scan3A_4 = arith.constant 128 : i32
    %mul3A_5 = arith.constant 640 : i32
    %mul3A_6 = arith.muli %arg1, %mul3A_5 : i32
    %add3A_7 = arith.constant 0 : i32
    %add3A_8 = arith.addi %mul3A_6, %add3A_7 : i32
    "tpu.region"() ({
      %run_scoped3A = tpu.sem_alloc : memref<!tpu.dma_semaphore, #tpu.memory_space<semaphore_mem>>
      %dma_start3A = arith.constant 0 : i32
      %dma_start3A_39 = tpu.memref_slice %arg11[%add3A_8, %dma_start3A] : memref<10240x128xf32, #tpu.memory_space<vmem_shared>> -> memref<128x128xf32, #tpu.memory_space<vmem_shared>>
      %dma_start3A_40 = arith.constant 0 : i32
      %dma_start3A_41 = tpu.memref_slice %arg11[%add3A_8, %dma_start3A_40] : memref<10240x128xf32, #tpu.memory_space<vmem_shared>> -> memref<128x128xf32, #tpu.memory_space<vmem_shared>>
      tpu.enqueue_dma source(%arg10 : memref<128x128xf32, #tpu.memory_space<vmem>>) target(%dma_start3A_41 : memref<128x128xf32, #tpu.memory_space<vmem_shared>>) target_semaphore(%run_scoped3A : memref<!tpu.dma_semaphore, #tpu.memory_space<semaphore_mem>>)
      %dma_wait3A = arith.constant 0 : i32
      %dma_wait3A_42 = tpu.memref_slice %arg11[%add3A_8, %dma_wait3A] : memref<10240x128xf32, #tpu.memory_space<vmem_shared>> -> memref<128x128xf32, #tpu.memory_space<vmem_shared>>
      %dma_wait3A_43 = arith.constant 0 : i32
      %dma_wait3A_44 = tpu.memref_slice %arg11[%add3A_8, %dma_wait3A_43] : memref<10240x128xf32, #tpu.memory_space<vmem_shared>> -> memref<128x128xf32, #tpu.memory_space<vmem_shared>>
      tpu.wait_dma2 semaphore(%run_scoped3A : memref<!tpu.dma_semaphore, #tpu.memory_space<semaphore_mem>>) src(%arg10 : memref<128x128xf32, #tpu.memory_space<vmem>>) dst(%dma_wait3A_44 : memref<128x128xf32, #tpu.memory_space<vmem_shared>>)
      tpu.yield
    }) : () -> ()
    %mul3A_9 = arith.constant 640 : i32
    %mul3A_10 = arith.muli %arg1, %mul3A_9 : i32
    %add3A_11 = arith.constant 128 : i32
    %add3A_12 = arith.addi %mul3A_10, %add3A_11 : i32
    "tpu.region"() ({
      %run_scoped3A = tpu.sem_alloc : memref<!tpu.dma_semaphore, #tpu.memory_space<semaphore_mem>>
      %dma_start3A = arith.constant 0 : i32
      %dma_start3A_39 = tpu.memref_slice %arg11[%add3A_12, %dma_start3A] : memref<10240x128xf32, #tpu.memory_space<vmem_shared>> -> memref<128x128xf32, #tpu.memory_space<vmem_shared>>
      %dma_start3A_40 = arith.constant 0 : i32
      %dma_start3A_41 = tpu.memref_slice %arg11[%add3A_12, %dma_start3A_40] : memref<10240x128xf32, #tpu.memory_space<vmem_shared>> -> memref<128x128xf32, #tpu.memory_space<vmem_shared>>
      tpu.enqueue_dma source(%arg10 : memref<128x128xf32, #tpu.memory_space<vmem>>) target(%dma_start3A_41 : memref<128x128xf32, #tpu.memory_space<vmem_shared>>) target_semaphore(%run_scoped3A : memref<!tpu.dma_semaphore, #tpu.memory_space<semaphore_mem>>)
      %dma_wait3A = arith.constant 0 : i32
      %dma_wait3A_42 = tpu.memref_slice %arg11[%add3A_12, %dma_wait3A] : memref<10240x128xf32, #tpu.memory_space<vmem_shared>> -> memref<128x128xf32, #tpu.memory_space<vmem_shared>>
      %dma_wait3A_43 = arith.constant 0 : i32
      %dma_wait3A_44 = tpu.memref_slice %arg11[%add3A_12, %dma_wait3A_43] : memref<10240x128xf32, #tpu.memory_space<vmem_shared>> -> memref<128x128xf32, #tpu.memory_space<vmem_shared>>
      tpu.wait_dma2 semaphore(%run_scoped3A : memref<!tpu.dma_semaphore, #tpu.memory_space<semaphore_mem>>) src(%arg10 : memref<128x128xf32, #tpu.memory_space<vmem>>) dst(%dma_wait3A_44 : memref<128x128xf32, #tpu.memory_space<vmem_shared>>)
      tpu.yield
    }) : () -> ()
    %mul3A_13 = arith.constant 640 : i32
    %mul3A_14 = arith.muli %arg1, %mul3A_13 : i32
    %add3A_15 = arith.constant 256 : i32
    %add3A_16 = arith.addi %mul3A_14, %add3A_15 : i32
    "tpu.region"() ({
      %run_scoped3A = tpu.sem_alloc : memref<!tpu.dma_semaphore, #tpu.memory_space<semaphore_mem>>
      %dma_start3A = arith.constant 0 : i32
      %dma_start3A_39 = tpu.memref_slice %arg11[%add3A_16, %dma_start3A] : memref<10240x128xf32, #tpu.memory_space<vmem_shared>> -> memref<128x128xf32, #tpu.memory_space<vmem_shared>>
      %dma_start3A_40 = arith.constant 0 : i32
      %dma_start3A_41 = tpu.memref_slice %arg11[%add3A_16, %dma_start3A_40] : memref<10240x128xf32, #tpu.memory_space<vmem_shared>> -> memref<128x128xf32, #tpu.memory_space<vmem_shared>>
      tpu.enqueue_dma source(%arg10 : memref<128x128xf32, #tpu.memory_space<vmem>>) target(%dma_start3A_41 : memref<128x128xf32, #tpu.memory_space<vmem_shared>>) target_semaphore(%run_scoped3A : memref<!tpu.dma_semaphore, #tpu.memory_space<semaphore_mem>>)
      %dma_wait3A = arith.constant 0 : i32
      %dma_wait3A_42 = tpu.memref_slice %arg11[%add3A_16, %dma_wait3A] : memref<10240x128xf32, #tpu.memory_space<vmem_shared>> -> memref<128x128xf32, #tpu.memory_space<vmem_shared>>
      %dma_wait3A_43 = arith.constant 0 : i32
      %dma_wait3A_44 = tpu.memref_slice %arg11[%add3A_16, %dma_wait3A_43] : memref<10240x128xf32, #tpu.memory_space<vmem_shared>> -> memref<128x128xf32, #tpu.memory_space<vmem_shared>>
      tpu.wait_dma2 semaphore(%run_scoped3A : memref<!tpu.dma_semaphore, #tpu.memory_space<semaphore_mem>>) src(%arg10 : memref<128x128xf32, #tpu.memory_space<vmem>>) dst(%dma_wait3A_44 : memref<128x128xf32, #tpu.memory_space<vmem_shared>>)
      tpu.yield
    }) : () -> ()
    %mul3A_17 = arith.constant 640 : i32
    %mul3A_18 = arith.muli %arg1, %mul3A_17 : i32
    %add3A_19 = arith.constant 384 : i32
    %add3A_20 = arith.addi %mul3A_18, %add3A_19 : i32
    "tpu.region"() ({
      %run_scoped3A = tpu.sem_alloc : memref<!tpu.dma_semaphore, #tpu.memory_space<semaphore_mem>>
      %dma_start3A = arith.constant 0 : i32
      %dma_start3A_39 = tpu.memref_slice %arg11[%add3A_20, %dma_start3A] : memref<10240x128xf32, #tpu.memory_space<vmem_shared>> -> memref<128x128xf32, #tpu.memory_space<vmem_shared>>
      %dma_start3A_40 = arith.constant 0 : i32
      %dma_start3A_41 = tpu.memref_slice %arg11[%add3A_20, %dma_start3A_40] : memref<10240x128xf32, #tpu.memory_space<vmem_shared>> -> memref<128x128xf32, #tpu.memory_space<vmem_shared>>
      tpu.enqueue_dma source(%arg10 : memref<128x128xf32, #tpu.memory_space<vmem>>) target(%dma_start3A_41 : memref<128x128xf32, #tpu.memory_space<vmem_shared>>) target_semaphore(%run_scoped3A : memref<!tpu.dma_semaphore, #tpu.memory_space<semaphore_mem>>)
      %dma_wait3A = arith.constant 0 : i32
      %dma_wait3A_42 = tpu.memref_slice %arg11[%add3A_20, %dma_wait3A] : memref<10240x128xf32, #tpu.memory_space<vmem_shared>> -> memref<128x128xf32, #tpu.memory_space<vmem_shared>>
      %dma_wait3A_43 = arith.constant 0 : i32
      %dma_wait3A_44 = tpu.memref_slice %arg11[%add3A_20, %dma_wait3A_43] : memref<10240x128xf32, #tpu.memory_space<vmem_shared>> -> memref<128x128xf32, #tpu.memory_space<vmem_shared>>
      tpu.wait_dma2 semaphore(%run_scoped3A : memref<!tpu.dma_semaphore, #tpu.memory_space<semaphore_mem>>) src(%arg10 : memref<128x128xf32, #tpu.memory_space<vmem>>) dst(%dma_wait3A_44 : memref<128x128xf32, #tpu.memory_space<vmem_shared>>)
      tpu.yield
    }) : () -> ()
    %mul3A_21 = arith.constant 640 : i32
    %mul3A_22 = arith.muli %arg1, %mul3A_21 : i32
    %add3A_23 = arith.constant 512 : i32
    %add3A_24 = arith.addi %mul3A_22, %add3A_23 : i32
    "tpu.region"() ({
      %run_scoped3A = tpu.sem_alloc : memref<!tpu.dma_semaphore, #tpu.memory_space<semaphore_mem>>
      %dma_start3A = arith.constant 0 : i32
      %dma_start3A_39 = tpu.memref_slice %arg11[%add3A_24, %dma_start3A] : memref<10240x128xf32, #tpu.memory_space<vmem_shared>> -> memref<128x128xf32, #tpu.memory_space<vmem_shared>>
      %dma_start3A_40 = arith.constant 0 : i32
      %dma_start3A_41 = tpu.memref_slice %arg11[%add3A_24, %dma_start3A_40] : memref<10240x128xf32, #tpu.memory_space<vmem_shared>> -> memref<128x128xf32, #tpu.memory_space<vmem_shared>>
      tpu.enqueue_dma source(%arg10 : memref<128x128xf32, #tpu.memory_space<vmem>>) target(%dma_start3A_41 : memref<128x128xf32, #tpu.memory_space<vmem_shared>>) target_semaphore(%run_scoped3A : memref<!tpu.dma_semaphore, #tpu.memory_space<semaphore_mem>>)
      %dma_wait3A = arith.constant 0 : i32
      %dma_wait3A_42 = tpu.memref_slice %arg11[%add3A_24, %dma_wait3A] : memref<10240x128xf32, #tpu.memory_space<vmem_shared>> -> memref<128x128xf32, #tpu.memory_space<vmem_shared>>
      %dma_wait3A_43 = arith.constant 0 : i32
      %dma_wait3A_44 = tpu.memref_slice %arg11[%add3A_24, %dma_wait3A_43] : memref<10240x128xf32, #tpu.memory_space<vmem_shared>> -> memref<128x128xf32, #tpu.memory_space<vmem_shared>>
      tpu.wait_dma2 semaphore(%run_scoped3A : memref<!tpu.dma_semaphore, #tpu.memory_space<semaphore_mem>>) src(%arg10 : memref<128x128xf32, #tpu.memory_space<vmem>>) dst(%dma_wait3A_44 : memref<128x128xf32, #tpu.memory_space<vmem_shared>>)
      tpu.yield
    }) : () -> ()
    %barrier3A = arith.constant 0 : index
    tpu.barrier barrier_id(%barrier3A)
    %mul3A_25 = arith.constant 80 : i32
    %mul3A_26 = arith.muli %add3A, %mul3A_25 : i32
    "tpu.region"() ({
      %run_scoped3A = tpu.sem_alloc : memref<!tpu.dma_semaphore, #tpu.memory_space<semaphore_mem>>
      %dma_start3A = arith.constant 0 : i32
      %dma_start3A_39 = arith.constant 0 : i32
      %dma_start3A_40 = tpu.memref_slice %arg3[%mul3A_26, %dma_start3A, %dma_start3A_39] : memref<2560x1x128xi32, #tpu.memory_space<hbm>> -> memref<80x1x128xi32, #tpu.memory_space<hbm>>
      %dma_start3A_41 = arith.constant 0 : i32
      %dma_start3A_42 = arith.constant 0 : i32
      %dma_start3A_43 = tpu.memref_slice %arg3[%mul3A_26, %dma_start3A_41, %dma_start3A_42] : memref<2560x1x128xi32, #tpu.memory_space<hbm>> -> memref<80x1x128xi32, #tpu.memory_space<hbm>>
      tpu.enqueue_dma source(%dma_start3A_43 : memref<80x1x128xi32, #tpu.memory_space<hbm>>) target(%arg6 : memref<80x1x128xi32, #tpu.memory_space<vmem>>) target_semaphore(%run_scoped3A : memref<!tpu.dma_semaphore, #tpu.memory_space<semaphore_mem>>)
      %dma_wait3A = arith.constant 0 : i32
      %dma_wait3A_44 = arith.constant 0 : i32
      %dma_wait3A_45 = tpu.memref_slice %arg3[%mul3A_26, %dma_wait3A, %dma_wait3A_44] : memref<2560x1x128xi32, #tpu.memory_space<hbm>> -> memref<80x1x128xi32, #tpu.memory_space<hbm>>
      %dma_wait3A_46 = arith.constant 0 : i32
      %dma_wait3A_47 = arith.constant 0 : i32
      %dma_wait3A_48 = tpu.memref_slice %arg3[%mul3A_26, %dma_wait3A_46, %dma_wait3A_47] : memref<2560x1x128xi32, #tpu.memory_space<hbm>> -> memref<80x1x128xi32, #tpu.memory_space<hbm>>
      tpu.wait_dma2 semaphore(%run_scoped3A : memref<!tpu.dma_semaphore, #tpu.memory_space<semaphore_mem>>) src(%dma_wait3A_48 : memref<80x1x128xi32, #tpu.memory_space<hbm>>) dst(%arg6 : memref<80x1x128xi32, #tpu.memory_space<vmem>>)
      tpu.yield
    }) : () -> ()
    %mul3A_27 = arith.constant 80 : i32
    %mul3A_28 = arith.muli %add3A, %mul3A_27 : i32
    "tpu.region"() ({
      %run_scoped3A = tpu.sem_alloc : memref<!tpu.dma_semaphore, #tpu.memory_space<semaphore_mem>>
      %dma_start3A = arith.constant 0 : i32
      %dma_start3A_39 = arith.constant 0 : i32
      %dma_start3A_40 = tpu.memref_slice %arg4[%mul3A_28, %dma_start3A, %dma_start3A_39] : memref<2560x1x128xi32, #tpu.memory_space<hbm>> -> memref<80x1x128xi32, #tpu.memory_space<hbm>>
      %dma_start3A_41 = arith.constant 0 : i32
      %dma_start3A_42 = arith.constant 0 : i32
      %dma_start3A_43 = tpu.memref_slice %arg4[%mul3A_28, %dma_start3A_41, %dma_start3A_42] : memref<2560x1x128xi32, #tpu.memory_space<hbm>> -> memref<80x1x128xi32, #tpu.memory_space<hbm>>
      tpu.enqueue_dma source(%dma_start3A_43 : memref<80x1x128xi32, #tpu.memory_space<hbm>>) target(%arg7 : memref<80x1x128xi32, #tpu.memory_space<vmem>>) target_semaphore(%run_scoped3A : memref<!tpu.dma_semaphore, #tpu.memory_space<semaphore_mem>>)
      %dma_wait3A = arith.constant 0 : i32
      %dma_wait3A_44 = arith.constant 0 : i32
      %dma_wait3A_45 = tpu.memref_slice %arg4[%mul3A_28, %dma_wait3A, %dma_wait3A_44] : memref<2560x1x128xi32, #tpu.memory_space<hbm>> -> memref<80x1x128xi32, #tpu.memory_space<hbm>>
      %dma_wait3A_46 = arith.constant 0 : i32
      %dma_wait3A_47 = arith.constant 0 : i32
      %dma_wait3A_48 = tpu.memref_slice %arg4[%mul3A_28, %dma_wait3A_46, %dma_wait3A_47] : memref<2560x1x128xi32, #tpu.memory_space<hbm>> -> memref<80x1x128xi32, #tpu.memory_space<hbm>>
      tpu.wait_dma2 semaphore(%run_scoped3A : memref<!tpu.dma_semaphore, #tpu.memory_space<semaphore_mem>>) src(%dma_wait3A_48 : memref<80x1x128xi32, #tpu.memory_space<hbm>>) dst(%arg7 : memref<80x1x128xi32, #tpu.memory_space<vmem>>)
      tpu.yield
    }) : () -> ()
    %scan3A_29 = arith.constant 0 : i32
    %scan3A_30 = arith.constant 80 : i32
    %scan3A_31 = arith.addi %scan3A_29, %scan3A_30 : i32
    %scan3A_32 = arith.constant 1 : i32
    scf.for %scan3A_39 = %scan3A_29 to %scan3A_31 step %scan3A_32  : i32 {
      %mul3A_40 = arith.constant 1 : i32
      %mul3A_41 = arith.muli %scan3A_39, %mul3A_40 : i32
      %add3A_42 = arith.constant 0 : i32
      %add3A_43 = arith.addi %add3A_42, %mul3A_41 : i32
      %get3A = arith.constant 0 : i32
      %get3A_44 = arith.index_cast %add3A_43 : i32 to index
      %get3A_45 = arith.index_cast %get3A : i32 to index
      %get3A_46 = arith.constant 0 : index
      %get3A_47 = tpu.vector_load %arg6[%get3A_44, %get3A_45, %get3A_46] {strides = array<i32>} : memref<80x1x128xi32, #tpu.memory_space<vmem>>, vector<1x1x16xi32>,
      %get3A_48 = vector.shape_cast %get3A_47 : vector<1x1x16xi32> to vector<16xi32>
      %swap3A = arith.constant 0 : index
      %swap3A_49 = tpu.vector_load %arg8[%swap3A] {strides = array<i32>} : memref<128xi32, #tpu.memory_space<vmem>>, vector<16xi32>,
      %swap3A_50 = vector.shape_cast %swap3A_49 : vector<16xi32> to vector<16xi32>
      %swap3A_51 = vector.shape_cast %get3A_48 : vector<16xi32> to vector<16xi32>
      tpu.vector_store %arg8[%swap3A], %swap3A_51 {strides = array<i32>} : memref<128xi32, #tpu.memory_space<vmem>>, vector<16xi32>,
      %get3A_52 = arith.constant 0 : i32
      %get3A_53 = arith.index_cast %add3A_43 : i32 to index
      %get3A_54 = arith.index_cast %get3A_52 : i32 to index
      %get3A_55 = arith.constant 0 : index
      %get3A_56 = tpu.vector_load %arg7[%get3A_53, %get3A_54, %get3A_55] {strides = array<i32>} : memref<80x1x128xi32, #tpu.memory_space<vmem>>, vector<1x1x16xi32>,
      %get3A_57 = vector.shape_cast %get3A_56 : vector<1x1x16xi32> to vector<16xi32>
      %swap3A_58 = arith.constant 0 : index
      %swap3A_59 = tpu.vector_load %arg9[%swap3A_58] {strides = array<i32>} : memref<128xi32, #tpu.memory_space<vmem>>, vector<16xi32>,
      %swap3A_60 = vector.shape_cast %swap3A_59 : vector<16xi32> to vector<16xi32>
      %swap3A_61 = vector.shape_cast %get3A_57 : vector<16xi32> to vector<16xi32>
      tpu.vector_store %arg9[%swap3A_58], %swap3A_61 {strides = array<i32>} : memref<128xi32, #tpu.memory_space<vmem>>, vector<16xi32>,
      %get3A_62 = arith.constant 0 : i32
      %get3A_63 = arith.index_cast %add3A_43 : i32 to index
      %get3A_64 = arith.index_cast %get3A_62 : i32 to index
      %get3A_65 = arith.constant 16 : index
      %get3A_66 = tpu.vector_load %arg6[%get3A_63, %get3A_64, %get3A_65] {strides = array<i32>} : memref<80x1x128xi32, #tpu.memory_space<vmem>>, vector<1x1x16xi32>,
      %get3A_67 = vector.shape_cast %get3A_66 : vector<1x1x16xi32> to vector<16xi32>
      %swap3A_68 = arith.constant 16 : index
      %swap3A_69 = tpu.vector_load %arg8[%swap3A_68] {strides = array<i32>} : memref<128xi32, #tpu.memory_space<vmem>>, vector<16xi32>,
      %swap3A_70 = vector.shape_cast %swap3A_69 : vector<16xi32> to vector<16xi32>
      %swap3A_71 = vector.shape_cast %get3A_67 : vector<16xi32> to vector<16xi32>
      tpu.vector_store %arg8[%swap3A_68], %swap3A_71 {strides = array<i32>} : memref<128xi32, #tpu.memory_space<vmem>>, vector<16xi32>,
      %get3A_72 = arith.constant 0 : i32
      %get3A_73 = arith.index_cast %add3A_43 : i32 to index
      %get3A_74 = arith.index_cast %get3A_72 : i32 to index
      %get3A_75 = arith.constant 16 : index
      %get3A_76 = tpu.vector_load %arg7[%get3A_73, %get3A_74, %get3A_75] {strides = array<i32>} : memref<80x1x128xi32, #tpu.memory_space<vmem>>, vector<1x1x16xi32>,
      %get3A_77 = vector.shape_cast %get3A_76 : vector<1x1x16xi32> to vector<16xi32>
      %swap3A_78 = arith.constant 16 : index
      %swap3A_79 = tpu.vector_load %arg9[%swap3A_78] {strides = array<i32>} : memref<128xi32, #tpu.memory_space<vmem>>, vector<16xi32>,
      %swap3A_80 = vector.shape_cast %swap3A_79 : vector<16xi32> to vector<16xi32>
      %swap3A_81 = vector.shape_cast %get3A_77 : vector<16xi32> to vector<16xi32>
      tpu.vector_store %arg9[%swap3A_78], %swap3A_81 {strides = array<i32>} : memref<128xi32, #tpu.memory_space<vmem>>, vector<16xi32>,
      %get3A_82 = arith.constant 0 : i32
      %get3A_83 = arith.index_cast %add3A_43 : i32 to index
      %get3A_84 = arith.index_cast %get3A_82 : i32 to index
      %get3A_85 = arith.constant 32 : index
      %get3A_86 = tpu.vector_load %arg6[%get3A_83, %get3A_84, %get3A_85] {strides = array<i32>} : memref<80x1x128xi32, #tpu.memory_space<vmem>>, vector<1x1x16xi32>,
      %get3A_87 = vector.shape_cast %get3A_86 : vector<1x1x16xi32> to vector<16xi32>
      %swap3A_88 = arith.constant 32 : index
      %swap3A_89 = tpu.vector_load %arg8[%swap3A_88] {strides = array<i32>} : memref<128xi32, #tpu.memory_space<vmem>>, vector<16xi32>,
      %swap3A_90 = vector.shape_cast %swap3A_89 : vector<16xi32> to vector<16xi32>
      %swap3A_91 = vector.shape_cast %get3A_87 : vector<16xi32> to vector<16xi32>
      tpu.vector_store %arg8[%swap3A_88], %swap3A_91 {strides = array<i32>} : memref<128xi32, #tpu.memory_space<vmem>>, vector<16xi32>,
      %get3A_92 = arith.constant 0 : i32
      %get3A_93 = arith.index_cast %add3A_43 : i32 to index
      %get3A_94 = arith.index_cast %get3A_92 : i32 to index
      %get3A_95 = arith.constant 32 : index
      %get3A_96 = tpu.vector_load %arg7[%get3A_93, %get3A_94, %get3A_95] {strides = array<i32>} : memref<80x1x128xi32, #tpu.memory_space<vmem>>, vector<1x1x16xi32>,
      %get3A_97 = vector.shape_cast %get3A_96 : vector<1x1x16xi32> to vector<16xi32>
      %swap3A_98 = arith.constant 32 : index
      %swap3A_99 = tpu.vector_load %arg9[%swap3A_98] {strides = array<i32>} : memref<128xi32, #tpu.memory_space<vmem>>, vector<16xi32>,
      %swap3A_100 = vector.shape_cast %swap3A_99 : vector<16xi32> to vector<16xi32>
      %swap3A_101 = vector.shape_cast %get3A_97 : vector<16xi32> to vector<16xi32>
      tpu.vector_store %arg9[%swap3A_98], %swap3A_101 {strides = array<i32>} : memref<128xi32, #tpu.memory_space<vmem>>, vector<16xi32>,
      %get3A_102 = arith.constant 0 : i32
      %get3A_103 = arith.index_cast %add3A_43 : i32 to index
      %get3A_104 = arith.index_cast %get3A_102 : i32 to index
      %get3A_105 = arith.constant 48 : index
      %get3A_106 = tpu.vector_load %arg6[%get3A_103, %get3A_104, %get3A_105] {strides = array<i32>} : memref<80x1x128xi32, #tpu.memory_space<vmem>>, vector<1x1x16xi32>,
      %get3A_107 = vector.shape_cast %get3A_106 : vector<1x1x16xi32> to vector<16xi32>
      %swap3A_108 = arith.constant 48 : index
      %swap3A_109 = tpu.vector_load %arg8[%swap3A_108] {strides = array<i32>} : memref<128xi32, #tpu.memory_space<vmem>>, vector<16xi32>,
      %swap3A_110 = vector.shape_cast %swap3A_109 : vector<16xi32> to vector<16xi32>
      %swap3A_111 = vector.shape_cast %get3A_107 : vector<16xi32> to vector<16xi32>
      tpu.vector_store %arg8[%swap3A_108], %swap3A_111 {strides = array<i32>} : memref<128xi32, #tpu.memory_space<vmem>>, vector<16xi32>,
      %get3A_112 = arith.constant 0 : i32
      %get3A_113 = arith.index_cast %add3A_43 : i32 to index
      %get3A_114 = arith.index_cast %get3A_112 : i32 to index
      %get3A_115 = arith.constant 48 : index
      %get3A_116 = tpu.vector_load %arg7[%get3A_113, %get3A_114, %get3A_115] {strides = array<i32>} : memref<80x1x128xi32, #tpu.memory_space<vmem>>, vector<1x1x16xi32>,
      %get3A_117 = vector.shape_cast %get3A_116 : vector<1x1x16xi32> to vector<16xi32>
      %swap3A_118 = arith.constant 48 : index
      %swap3A_119 = tpu.vector_load %arg9[%swap3A_118] {strides = array<i32>} : memref<128xi32, #tpu.memory_space<vmem>>, vector<16xi32>,
      %swap3A_120 = vector.shape_cast %swap3A_119 : vector<16xi32> to vector<16xi32>
      %swap3A_121 = vector.shape_cast %get3A_117 : vector<16xi32> to vector<16xi32>
      tpu.vector_store %arg9[%swap3A_118], %swap3A_121 {strides = array<i32>} : memref<128xi32, #tpu.memory_space<vmem>>, vector<16xi32>,
      %get3A_122 = arith.constant 0 : i32
      %get3A_123 = arith.index_cast %add3A_43 : i32 to index
      %get3A_124 = arith.index_cast %get3A_122 : i32 to index
      %get3A_125 = arith.constant 64 : index
      %get3A_126 = tpu.vector_load %arg6[%get3A_123, %get3A_124, %get3A_125] {strides = array<i32>} : memref<80x1x128xi32, #tpu.memory_space<vmem>>, vector<1x1x16xi32>,
      %get3A_127 = vector.shape_cast %get3A_126 : vector<1x1x16xi32> to vector<16xi32>
      %swap3A_128 = arith.constant 64 : index
      %swap3A_129 = tpu.vector_load %arg8[%swap3A_128] {strides = array<i32>} : memref<128xi32, #tpu.memory_space<vmem>>, vector<16xi32>,
      %swap3A_130 = vector.shape_cast %swap3A_129 : vector<16xi32> to vector<16xi32>
      %swap3A_131 = vector.shape_cast %get3A_127 : vector<16xi32> to vector<16xi32>
      tpu.vector_store %arg8[%swap3A_128], %swap3A_131 {strides = array<i32>} : memref<128xi32, #tpu.memory_space<vmem>>, vector<16xi32>,
      %get3A_132 = arith.constant 0 : i32
      %get3A_133 = arith.index_cast %add3A_43 : i32 to index
      %get3A_134 = arith.index_cast %get3A_132 : i32 to index
      %get3A_135 = arith.constant 64 : index
      %get3A_136 = tpu.vector_load %arg7[%get3A_133, %get3A_134, %get3A_135] {strides = array<i32>} : memref<80x1x128xi32, #tpu.memory_space<vmem>>, vector<1x1x16xi32>,
      %get3A_137 = vector.shape_cast %get3A_136 : vector<1x1x16xi32> to vector<16xi32>
      %swap3A_138 = arith.constant 64 : index
      %swap3A_139 = tpu.vector_load %arg9[%swap3A_138] {strides = array<i32>} : memref<128xi32, #tpu.memory_space<vmem>>, vector<16xi32>,
      %swap3A_140 = vector.shape_cast %swap3A_139 : vector<16xi32> to vector<16xi32>
      %swap3A_141 = vector.shape_cast %get3A_137 : vector<16xi32> to vector<16xi32>
      tpu.vector_store %arg9[%swap3A_138], %swap3A_141 {strides = array<i32>} : memref<128xi32, #tpu.memory_space<vmem>>, vector<16xi32>,
      %get3A_142 = arith.constant 0 : i32
      %get3A_143 = arith.index_cast %add3A_43 : i32 to index
      %get3A_144 = arith.index_cast %get3A_142 : i32 to index
      %get3A_145 = arith.constant 80 : index
      %get3A_146 = tpu.vector_load %arg6[%get3A_143, %get3A_144, %get3A_145] {strides = array<i32>} : memref<80x1x128xi32, #tpu.memory_space<vmem>>, vector<1x1x16xi32>,
      %get3A_147 = vector.shape_cast %get3A_146 : vector<1x1x16xi32> to vector<16xi32>
      %swap3A_148 = arith.constant 80 : index
      %swap3A_149 = tpu.vector_load %arg8[%swap3A_148] {strides = array<i32>} : memref<128xi32, #tpu.memory_space<vmem>>, vector<16xi32>,
      %swap3A_150 = vector.shape_cast %swap3A_149 : vector<16xi32> to vector<16xi32>
      %swap3A_151 = vector.shape_cast %get3A_147 : vector<16xi32> to vector<16xi32>
      tpu.vector_store %arg8[%swap3A_148], %swap3A_151 {strides = array<i32>} : memref<128xi32, #tpu.memory_space<vmem>>, vector<16xi32>,
      %get3A_152 = arith.constant 0 : i32
      %get3A_153 = arith.index_cast %add3A_43 : i32 to index
      %get3A_154 = arith.index_cast %get3A_152 : i32 to index
      %get3A_155 = arith.constant 80 : index
      %get3A_156 = tpu.vector_load %arg7[%get3A_153, %get3A_154, %get3A_155] {strides = array<i32>} : memref<80x1x128xi32, #tpu.memory_space<vmem>>, vector<1x1x16xi32>,
      %get3A_157 = vector.shape_cast %get3A_156 : vector<1x1x16xi32> to vector<16xi32>
      %swap3A_158 = arith.constant 80 : index
      %swap3A_159 = tpu.vector_load %arg9[%swap3A_158] {strides = array<i32>} : memref<128xi32, #tpu.memory_space<vmem>>, vector<16xi32>,
      %swap3A_160 = vector.shape_cast %swap3A_159 : vector<16xi32> to vector<16xi32>
      %swap3A_161 = vector.shape_cast %get3A_157 : vector<16xi32> to vector<16xi32>
      tpu.vector_store %arg9[%swap3A_158], %swap3A_161 {strides = array<i32>} : memref<128xi32, #tpu.memory_space<vmem>>, vector<16xi32>,
      %get3A_162 = arith.constant 0 : i32
      %get3A_163 = arith.index_cast %add3A_43 : i32 to index
      %get3A_164 = arith.index_cast %get3A_162 : i32 to index
      %get3A_165 = arith.constant 96 : index
      %get3A_166 = tpu.vector_load %arg6[%get3A_163, %get3A_164, %get3A_165] {strides = array<i32>} : memref<80x1x128xi32, #tpu.memory_space<vmem>>, vector<1x1x16xi32>,
      %get3A_167 = vector.shape_cast %get3A_166 : vector<1x1x16xi32> to vector<16xi32>
      %swap3A_168 = arith.constant 96 : index
      %swap3A_169 = tpu.vector_load %arg8[%swap3A_168] {strides = array<i32>} : memref<128xi32, #tpu.memory_space<vmem>>, vector<16xi32>,
      %swap3A_170 = vector.shape_cast %swap3A_169 : vector<16xi32> to vector<16xi32>
      %swap3A_171 = vector.shape_cast %get3A_167 : vector<16xi32> to vector<16xi32>
      tpu.vector_store %arg8[%swap3A_168], %swap3A_171 {strides = array<i32>} : memref<128xi32, #tpu.memory_space<vmem>>, vector<16xi32>,
      %get3A_172 = arith.constant 0 : i32
      %get3A_173 = arith.index_cast %add3A_43 : i32 to index
      %get3A_174 = arith.index_cast %get3A_172 : i32 to index
      %get3A_175 = arith.constant 96 : index
      %get3A_176 = tpu.vector_load %arg7[%get3A_173, %get3A_174, %get3A_175] {strides = array<i32>} : memref<80x1x128xi32, #tpu.memory_space<vmem>>, vector<1x1x16xi32>,
      %get3A_177 = vector.shape_cast %get3A_176 : vector<1x1x16xi32> to vector<16xi32>
      %swap3A_178 = arith.constant 96 : index
      %swap3A_179 = tpu.vector_load %arg9[%swap3A_178] {strides = array<i32>} : memref<128xi32, #tpu.memory_space<vmem>>, vector<16xi32>,
      %swap3A_180 = vector.shape_cast %swap3A_179 : vector<16xi32> to vector<16xi32>
      %swap3A_181 = vector.shape_cast %get3A_177 : vector<16xi32> to vector<16xi32>
      tpu.vector_store %arg9[%swap3A_178], %swap3A_181 {strides = array<i32>} : memref<128xi32, #tpu.memory_space<vmem>>, vector<16xi32>,
      %get3A_182 = arith.constant 0 : i32
      %get3A_183 = arith.index_cast %add3A_43 : i32 to index
      %get3A_184 = arith.index_cast %get3A_182 : i32 to index
      %get3A_185 = arith.constant 112 : index
      %get3A_186 = tpu.vector_load %arg6[%get3A_183, %get3A_184, %get3A_185] {strides = array<i32>} : memref<80x1x128xi32, #tpu.memory_space<vmem>>, vector<1x1x16xi32>,
      %get3A_187 = vector.shape_cast %get3A_186 : vector<1x1x16xi32> to vector<16xi32>
      %swap3A_188 = arith.constant 112 : index
      %swap3A_189 = tpu.vector_load %arg8[%swap3A_188] {strides = array<i32>} : memref<128xi32, #tpu.memory_space<vmem>>, vector<16xi32>,
      %swap3A_190 = vector.shape_cast %swap3A_189 : vector<16xi32> to vector<16xi32>
      %swap3A_191 = vector.shape_cast %get3A_187 : vector<16xi32> to vector<16xi32>
      tpu.vector_store %arg8[%swap3A_188], %swap3A_191 {strides = array<i32>} : memref<128xi32, #tpu.memory_space<vmem>>, vector<16xi32>,
      %get3A_192 = arith.constant 0 : i32
      %get3A_193 = arith.index_cast %add3A_43 : i32 to index
      %get3A_194 = arith.index_cast %get3A_192 : i32 to index
      %get3A_195 = arith.constant 112 : index
      %get3A_196 = tpu.vector_load %arg7[%get3A_193, %get3A_194, %get3A_195] {strides = array<i32>} : memref<80x1x128xi32, #tpu.memory_space<vmem>>, vector<1x1x16xi32>,
      %get3A_197 = vector.shape_cast %get3A_196 : vector<1x1x16xi32> to vector<16xi32>
      %swap3A_198 = arith.constant 112 : index
      %swap3A_199 = tpu.vector_load %arg9[%swap3A_198] {strides = array<i32>} : memref<128xi32, #tpu.memory_space<vmem>>, vector<16xi32>,
      %swap3A_200 = vector.shape_cast %swap3A_199 : vector<16xi32> to vector<16xi32>
      %swap3A_201 = vector.shape_cast %get3A_197 : vector<16xi32> to vector<16xi32>
      tpu.vector_store %arg9[%swap3A_198], %swap3A_201 {strides = array<i32>} : memref<128xi32, #tpu.memory_space<vmem>>, vector<16xi32>,
      %dma_start3A = arith.constant 0 : i32
      %dma_start3A_202 = arith.constant 0 : i32
      %dma_start3A_203 = tpu.memref_slice %arg2[%dma_start3A, %dma_start3A_202] : memref<10240x128xf32, #tpu.memory_space<hbm>> -> memref<10240x128xf32, #tpu.memory_space<hbm>>
      tpu.enqueue_indirect_dma source(%dma_start3A_203 : memref<10240x128xf32, #tpu.memory_space<hbm>>) target(%arg10 : memref<128x128xf32, #tpu.memory_space<vmem>>) offsets(%arg8 : memref<128xi32, #tpu.memory_space<vmem>>) semaphore(%arg12 : memref<!tpu.dma_semaphore, #tpu.memory_space<semaphore_mem>>)
      %dma_wait3A = arith.constant 0 : i32
      %dma_wait3A_204 = arith.constant 0 : i32
      %dma_wait3A_205 = tpu.memref_slice %arg2[%dma_wait3A, %dma_wait3A_204] : memref<10240x128xf32, #tpu.memory_space<hbm>> -> memref<10240x128xf32, #tpu.memory_space<hbm>>
      tpu.wait_indirect_dma semaphore(%arg12 : memref<!tpu.dma_semaphore, #tpu.memory_space<semaphore_mem>>) src(%dma_wait3A_205 : memref<10240x128xf32, #tpu.memory_space<hbm>>) dst(%arg10 : memref<128x128xf32, #tpu.memory_space<vmem>>)
      %dma_start3A_206 = arith.constant 0 : i32
      %dma_start3A_207 = arith.constant 0 : i32
      %dma_start3A_208 = tpu.memref_slice %arg11[%dma_start3A_206, %dma_start3A_207] : memref<10240x128xf32, #tpu.memory_space<vmem_shared>> -> memref<10240x128xf32, #tpu.memory_space<vmem_shared>>
      tpu.enqueue_indirect_dma source(%arg10 : memref<128x128xf32, #tpu.memory_space<vmem>>) target(%dma_start3A_208 : memref<10240x128xf32, #tpu.memory_space<vmem_shared>>) offsets(%arg9 : memref<128xi32, #tpu.memory_space<vmem>>) semaphore(%arg13 : memref<!tpu.dma_semaphore, #tpu.memory_space<semaphore_mem>>) {add = true}
      %dma_wait3A_209 = arith.constant 0 : i32
      %dma_wait3A_210 = arith.constant 0 : i32
      %dma_wait3A_211 = tpu.memref_slice %arg11[%dma_wait3A_209, %dma_wait3A_210] : memref<10240x128xf32, #tpu.memory_space<vmem_shared>> -> memref<10240x128xf32, #tpu.memory_space<vmem_shared>>
      tpu.wait_indirect_dma semaphore(%arg13 : memref<!tpu.dma_semaphore, #tpu.memory_space<semaphore_mem>>) src(%arg10 : memref<128x128xf32, #tpu.memory_space<vmem>>) dst(%dma_wait3A_211 : memref<10240x128xf32, #tpu.memory_space<vmem_shared>>)
    }
    %scan3A_33 = arith.constant 80 : i32
    %barrier3A_34 = arith.constant 0 : index
    tpu.barrier barrier_id(%barrier3A_34)
    %mul3A_35 = arith.constant 640 : i32
    %mul3A_36 = arith.muli %arg1, %mul3A_35 : i32
    %mul3A_37 = arith.constant 640 : i32
    %mul3A_38 = arith.muli %arg1, %mul3A_37 : i32
    "tpu.region"() ({
      %run_scoped3A = tpu.sem_alloc : memref<!tpu.dma_semaphore, #tpu.memory_space<semaphore_mem>>
      %dma_start3A = arith.constant 0 : i32
      %dma_start3A_39 = tpu.memref_slice %arg5[%arg0, %mul3A_38, %dma_start3A] : memref<2x10240x128xf32, #tpu.memory_space<hbm>> -> memref<1x640x128xf32, #tpu.memory_space<hbm>>
      %dma_start3A_40 = tpu.memref_squeeze %dma_start3A_39 : memref<1x640x128xf32, #tpu.memory_space<hbm>> -> memref<640x128xf32, #tpu.memory_space<hbm>>
      %dma_start3A_41 = arith.constant 0 : i32
      %dma_start3A_42 = tpu.memref_slice %arg11[%mul3A_36, %dma_start3A_41] : memref<10240x128xf32, #tpu.memory_space<vmem_shared>> -> memref<640x128xf32, #tpu.memory_space<vmem_shared>>
      tpu.enqueue_dma source(%dma_start3A_42 : memref<640x128xf32, #tpu.memory_space<vmem_shared>>) target(%dma_start3A_40 : memref<640x128xf32, #tpu.memory_space<hbm>>) target_semaphore(%run_scoped3A : memref<!tpu.dma_semaphore, #tpu.memory_space<semaphore_mem>>)
      %dma_wait3A = arith.constant 0 : i32
      %dma_wait3A_43 = tpu.memref_slice %arg5[%arg0, %mul3A_38, %dma_wait3A] : memref<2x10240x128xf32, #tpu.memory_space<hbm>> -> memref<1x640x128xf32, #tpu.memory_space<hbm>>
      %dma_wait3A_44 = tpu.memref_squeeze %dma_wait3A_43 : memref<1x640x128xf32, #tpu.memory_space<hbm>> -> memref<640x128xf32, #tpu.memory_space<hbm>>
      %dma_wait3A_45 = arith.constant 0 : i32
      %dma_wait3A_46 = tpu.memref_slice %arg11[%mul3A_36, %dma_wait3A_45] : memref<10240x128xf32, #tpu.memory_space<vmem_shared>> -> memref<640x128xf32, #tpu.memory_space<vmem_shared>>
      tpu.wait_dma2 semaphore(%run_scoped3A : memref<!tpu.dma_semaphore, #tpu.memory_space<semaphore_mem>>) src(%dma_wait3A_46 : memref<640x128xf32, #tpu.memory_space<vmem_shared>>) dst(%dma_wait3A_44 : memref<640x128xf32, #tpu.memory_space<hbm>>)
      tpu.yield
    }) : () -> ()
    return
  }
}

module attributes {stable_mosaic.version = 14 : i64} {
  func.func @_mm_scales_body(%arg0: memref<10240x128xf32, #tpu.memory_space<vmem>>, %arg1: memref<128x128xf32, #tpu.memory_space<vmem>>, %arg2: memref<2x1x10240xf32, #tpu.memory_space<vmem>>, %arg3: memref<10240x128xf32, #tpu.memory_space<vmem>>, %arg4: memref<2x10240xf32, #tpu.memory_space<vmem>>) attributes {dimension_semantics = [], scalar_prefetch = 0 : i64, scratch_operands = 0 : i64, tpu.core_type = #tpu.core_type<tc>} {
    %get3A = arith.constant 0 : index
    %get3A_0 = arith.constant 0 : index
    %get3A_1 = arith.constant 0 : index
    %get3A_2 = vector.load %arg2[%get3A, %get3A_0, %get3A_1] : memref<2x1x10240xf32, #tpu.memory_space<vmem>>, vector<1x1x10240xf32>
    %get3A_3 = vector.shape_cast %get3A_2 : vector<1x1x10240xf32> to vector<10240xf32>
    %get3A_4 = arith.constant 1 : index
    %get3A_5 = arith.constant 0 : index
    %get3A_6 = arith.constant 0 : index
    %get3A_7 = vector.load %arg2[%get3A_4, %get3A_5, %get3A_6] : memref<2x1x10240xf32, #tpu.memory_space<vmem>>, vector<1x1x10240xf32>
    %get3A_8 = vector.shape_cast %get3A_7 : vector<1x1x10240xf32> to vector<10240xf32>
    %add3A = arith.addf %get3A_3, %get3A_8 : vector<10240xf32>
    %max3A = arith.constant 1.000000e+00 : f32
    %max3A_9 = vector.broadcast %max3A : f32 to vector<10240xf32>
    %max3A_10 = arith.maximumf %add3A, %max3A_9 : vector<10240xf32>
    %rsqrt3A = math.rsqrt %max3A_10 : vector<10240xf32>
    %div3A = arith.constant 1.000000e+00 : f32
    %div3A_11 = vector.broadcast %div3A : f32 to vector<10240xf32>
    %div3A_12 = arith.divf %div3A_11, %max3A_10 : vector<10240xf32>
    %swap3A = arith.constant 0 : index
    %swap3A_13 = arith.constant 0 : index
    %swap3A_14 = vector.load %arg4[%swap3A, %swap3A_13] : memref<2x10240xf32, #tpu.memory_space<vmem>>, vector<1x10240xf32>
    %swap3A_15 = vector.shape_cast %swap3A_14 : vector<1x10240xf32> to vector<10240xf32>
    %swap3A_16 = vector.shape_cast %div3A_12 : vector<10240xf32> to vector<1x10240xf32>
    tpu.vector_store %arg4[%swap3A, %swap3A_13], %swap3A_16 {strides = array<i32>} : memref<2x10240xf32, #tpu.memory_space<vmem>>, vector<1x10240xf32>,
    %swap3A_17 = arith.constant 1 : index
    %swap3A_18 = arith.constant 0 : index
    %swap3A_19 = vector.load %arg4[%swap3A_17, %swap3A_18] : memref<2x10240xf32, #tpu.memory_space<vmem>>, vector<1x10240xf32>
    %swap3A_20 = vector.shape_cast %swap3A_19 : vector<1x10240xf32> to vector<10240xf32>
    %swap3A_21 = vector.shape_cast %rsqrt3A : vector<10240xf32> to vector<1x10240xf32>
    tpu.vector_store %arg4[%swap3A_17, %swap3A_18], %swap3A_21 {strides = array<i32>} : memref<2x10240xf32, #tpu.memory_space<vmem>>, vector<1x10240xf32>,
    %get3A_22 = arith.constant 0 : index
    %get3A_23 = arith.constant 0 : index
    %get3A_24 = vector.load %arg0[%get3A_22, %get3A_23] : memref<10240x128xf32, #tpu.memory_space<vmem>>, vector<10240x128xf32>
    %get3A_25 = arith.constant 0 : index
    %get3A_26 = arith.constant 0 : index
    %get3A_27 = vector.load %arg1[%get3A_25, %get3A_26] : memref<128x128xf32, #tpu.memory_space<vmem>>, vector<128x128xf32>
    %dot_general3A = arith.constant dense<0.000000e+00> : vector<10240x128xf32>
    %dot_general3A_28 = tpu.matmul %get3A_24, %get3A_27, %dot_general3A {dimension_numbers = #tpu.dot_dimension_numbers<[1], [0], [0], [1], [0, 0, 1, 1], [], []>, transpose_lhs_hint = false} : vector<10240x128xf32>, vector<128x128xf32>, vector<10240x128xf32> -> vector<10240x128xf32>
    %broadcast_in_dim3A = vector.shape_cast %rsqrt3A : vector<10240xf32> to vector<10240x1xf32>
    %mul3A = vector.broadcast %broadcast_in_dim3A : vector<10240x1xf32> to vector<10240x128xf32>
    %mul3A_29 = arith.mulf %dot_general3A_28, %mul3A : vector<10240x128xf32>
    %swap3A_30 = arith.constant 0 : index
    %swap3A_31 = arith.constant 0 : index
    %swap3A_32 = vector.load %arg3[%swap3A_30, %swap3A_31] : memref<10240x128xf32, #tpu.memory_space<vmem>>, vector<10240x128xf32>
    tpu.vector_store %arg3[%swap3A_30, %swap3A_31], %mul3A_29 {strides = array<i32>} : memref<10240x128xf32, #tpu.memory_space<vmem>>, vector<10240x128xf32>,
    return
  }
}

module attributes {stable_mosaic.version = 14 : i64} {
  func.func @_comb_scale_body(%arg0: memref<2x10240x128xf32, #tpu.memory_space<vmem>>, %arg1: memref<10240xf32, #tpu.memory_space<vmem>>, %arg2: memref<128xf32, #tpu.memory_space<vmem>>, %arg3: memref<10240x128xf32, #tpu.memory_space<vmem>>) attributes {dimension_semantics = [], scalar_prefetch = 0 : i64, scratch_operands = 0 : i64, tpu.core_type = #tpu.core_type<tc>} {
    %get3A = arith.constant 0 : index
    %get3A_0 = arith.constant 0 : index
    %get3A_1 = arith.constant 0 : index
    %get3A_2 = vector.load %arg0[%get3A, %get3A_0, %get3A_1] : memref<2x10240x128xf32, #tpu.memory_space<vmem>>, vector<1x10240x128xf32>
    %get3A_3 = vector.shape_cast %get3A_2 : vector<1x10240x128xf32> to vector<10240x128xf32>
    %get3A_4 = arith.constant 1 : index
    %get3A_5 = arith.constant 0 : index
    %get3A_6 = arith.constant 0 : index
    %get3A_7 = vector.load %arg0[%get3A_4, %get3A_5, %get3A_6] : memref<2x10240x128xf32, #tpu.memory_space<vmem>>, vector<1x10240x128xf32>
    %get3A_8 = vector.shape_cast %get3A_7 : vector<1x10240x128xf32> to vector<10240x128xf32>
    %add3A = arith.addf %get3A_3, %get3A_8 : vector<10240x128xf32>
    %get3A_9 = arith.constant 0 : index
    %get3A_10 = vector.load %arg1[%get3A_9] : memref<10240xf32, #tpu.memory_space<vmem>>, vector<10240xf32>
    %broadcast_in_dim3A = vector.shape_cast %get3A_10 : vector<10240xf32> to vector<10240x1xf32>
    %mul3A = vector.broadcast %broadcast_in_dim3A : vector<10240x1xf32> to vector<10240x128xf32>
    %mul3A_11 = arith.mulf %add3A, %mul3A : vector<10240x128xf32>
    %get3A_12 = arith.constant 0 : index
    %get3A_13 = vector.load %arg2[%get3A_12] : memref<128xf32, #tpu.memory_space<vmem>>, vector<128xf32>
    %broadcast_in_dim3A_14 = vector.shape_cast %get3A_13 : vector<128xf32> to vector<1x128xf32>
    %add3A_15 = vector.broadcast %broadcast_in_dim3A_14 : vector<1x128xf32> to vector<10240x128xf32>
    %add3A_16 = arith.addf %mul3A_11, %add3A_15 : vector<10240x128xf32>
    %swap3A = arith.constant 0 : index
    %swap3A_17 = arith.constant 0 : index
    %swap3A_18 = vector.load %arg3[%swap3A, %swap3A_17] : memref<10240x128xf32, #tpu.memory_space<vmem>>, vector<10240x128xf32>
    tpu.vector_store %arg3[%swap3A, %swap3A_17], %add3A_16 {strides = array<i32>} : memref<10240x128xf32, #tpu.memory_space<vmem>>, vector<10240x128xf32>,
    return
  }
}

</mosaic_0001>

<sc_bundles>
// kernel: closed_call.9.cloned.1.call-start
scs
__scs_entry_jumppad:
0x0: {  	(pc) =	sbr.rel $0x88, $3  }
0x1: {  	(tag) =	ssettag $0x0;
	lr =	simm.s32 $0x1  }
0x2: {  	[smem:$0x3F9D] =	sst lr;
	_ =	strace $0xD0000000  }
0x3: {  	_ = 	snop  }
0x4: {  	_ = 	snop  }
0x5: {  	_ = 	snop  }
0x6: {  	_ = 	snop  }
0x7: {  	_ = 	snop  }
__scs_overlays_trampoline_lowered:
0x8: {  	[smem:$0x3FAC] =	sst s0  }
0x9: {  	[smem:$0x3FAD] =	sst s1  }
0xa: {  	[smem:$0x3FAE] =	sst s2  }
0xb: {  	[smem:$0x3FAF] =	sst s3  }
0xc: {  	[smem:$0x3FB0] =	sst s4  }
0xd: {  	[smem:$0x3FB1] =	sst s5  }
0xe: {  	[smem:$0x3FB2] =	sst s6  }
0xf: {  	[smem:$0x3FB3] =	sst s7  }
0x10: {  	[smem:$0x3FB4] =	sst s8  }
0x11: {  	[smem:$0x3FB5] =	sst s9;
	s0 =	simm.s32 @!p0 $0x0  }
0x12: {  	s1 =	sld [smem:$0x3F9B];
	s0 =	simm.s32 @p0 $0x1  }
0x13: {  	[smem:$0x3FB6] =	sst s0;
	s0 =	simm.s32 @!p1 $0x0  }
0x14: {  	s2 =	sld [smem:$0x3F9A];
	s0 =	simm.s32 @p1 $0x1  }
0x15: {  	[smem:$0x3FB7] =	sst s0;
	s0 =	simm.s32 @!p2 $0x0  }
0x16: {  	s3 =	sld [smem:$0x3FDB];
	s0 =	simm.s32 @p2 $0x1  }
0x17: {  	s4 =	simm.s32 $0x1BF5;
	[smem:$0x3FB9] =	sst s0  }
0x18: {  	s0 =	sld [smem:$0x3F9C];
	_ =	swait.ge [sflag:s4], $0x0  }
0x19: {  	s7 =	sld [smem:$0x3F9D]  }
0x1a: {  	s8 =	sadd.s32 $0xFFFFE003, lr  }
0x1b: {  	s9 =	sadd.s32 $0xFFFFFEF7, lr;
	s5 =	simm.s32 $0xFFFFFFFF;
	p2 =	slt.u32 s8, $0xFFFFF086  }
0x1c: {  	p1 =	slt.u32 s9, $0xF7A;
	s5 =	simm.s32 @!p2 $0x0  }
0x1d: {  	s5 =	simm.s32 @p1 $0x1;
	p0 =	seq.s32 s7, s2  }
0x1e: {  	s7 =	smul.u32 @!p0 $0xF7A, s2;
	p2 =	seq.s32 @!p0 s5, $0x0  }
0x1f: {  	s9 =	smul.u32 $0xF7A, s1;
	s8 =	simm.s32 @!p0 $0x1BF5;
	p2 =	por !p2, p0  }
0x20: {  	[sflag:s8] =	ssyncset.s32 @!p0 $0xFFFFF086;
	s6 =	sadd.s32 @!p0 s3, s7;
	s7 =	simm.s32 @!p0 $0x108  }
0x21: {  	s3 =	sadd.s32 s3, s9;
	s6 =	sadd.s32 @!p0 $0x88, s6;
	s7 =	simm.s32 @p2 $0x1082  }
0x22: {  	[simem:s7], [sflag:s8] =	dma.local @!p0 [hbm:s6], $0xF7A  }
0x23: {  	s9 =	sor.u32 $0xD0000000, s2;
	s6 =	simm.s32 $0x108;
	_ =	swait.ge @!p0 [sflag:s8], $0x0  }
0x24: {  	s3 =	sadd.s32 $0x88, s3;
	s6 =	simm.s32 @!p1 $0x1082;
	[sflag:s4] =	ssyncset.s32 $0xFFFFF086  }
0x25: {  	[simem:s6], [sflag:s4] =	dma.local [hbm:s3], $0xF7A  }
0x26: {  	[smem:$0x3F9D] =	sst s1;
	(tag) =	ssettag s2;
	_ =	strace s9  }
0x27: {  	s1 =	sld [smem:$0x3FAD]  }
0x28: {  	s2 =	sld [smem:$0x3FAE]  }
0x29: {  	s4 =	sld [smem:$0x3FB0]  }
0x2a: {  	p0 =	seq.s32 s5, $0x0;
	s5 =	sld [smem:$0x3FB1]  }
0x2b: {  	s6 =	sld [smem:$0x3FB2]  }
0x2c: {  	s7 =	sld [smem:$0x3FB3]  }
0x2d: {  	s3 =	simm.s32 $0x108;
	s8 =	sld [smem:$0x3FB4]  }
0x2e: {  	s3 =	simm.s32 @!p0 $0x1082;
	s9 =	sld [smem:$0x3FB5]  }
0x2f: {  	lr =	sadd.s32 s0, s3;
	s0 =	sld [smem:$0x3FAC]  }
0x30: {  	s3 =	sld [smem:$0x3FAF]  }
0x31: {  	[smem:$0x3FB8] =	sst s10  }
0x32: {  	s10 =	sld [smem:$0x3FB6];
	_ =	sdelay $0x3  }
0x33: {  	p0 =	seq.s32 s10, $0x1;
	s10 =	sld [smem:$0x3FB8];
	_ =	sdelay $0x3  }
0x34: {  	[smem:$0x3FB8] =	sst s10  }
0x35: {  	s10 =	sld [smem:$0x3FB7];
	_ =	sdelay $0x3  }
0x36: {  	p1 =	seq.s32 s10, $0x1;
	s10 =	sld [smem:$0x3FB8];
	_ =	sdelay $0x3  }
0x37: {  	[smem:$0x3FB8] =	sst s10  }
0x38: {  	s10 =	sld [smem:$0x3FB9]  }
0x39: {  	_ = 	snop;
	(pc) =	sbr.ind lr, $3  }
0x3a: {  	_ = 	snop  }
0x3b: {  	_ = 	snop  }
0x3c: {  	p2 =	seq.s32 s10, $0x1;
	s10 =	sld [smem:$0x3FB8]  }
0x3d: {  	_ =	shalt  }
0x3e: {  	_ =	shalt  }
0x3f: {  	_ =	shalt  }
0x40: {  	_ =	shalt  }
0x41: {  	_ =	shalt  }
0x42: {  	_ =	shalt  }
0x43: {  	_ =	shalt  }
0x44: {  	_ =	shalt  }
0x45: {  	_ =	shalt  }
0x46: {  	_ =	shalt  }
0x47: {  	_ =	shalt  }
0x48: {  	_ =	shalt  }
0x49: {  	_ =	shalt  }
0x4a: {  	_ =	shalt  }
0x4b: {  	_ =	shalt  }
0x4c: {  	_ =	shalt  }
0x4d: {  	_ =	shalt  }
0x4e: {  	_ =	shalt  }
0x4f: {  	_ =	shalt  }
0x50: {  	_ =	shalt  }
0x51: {  	_ =	shalt  }
0x52: {  	_ =	shalt  }
0x53: {  	_ =	shalt  }
0x54: {  	_ =	shalt  }
0x55: {  	_ =	shalt  }
0x56: {  	_ =	shalt  }
0x57: {  	_ =	shalt  }
0x58: {  	_ =	shalt  }
0x59: {  	_ =	shalt  }
0x5a: {  	_ =	shalt  }
0x5b: {  	_ =	shalt  }
0x5c: {  	_ =	shalt  }
0x5d: {  	_ =	shalt  }
0x5e: {  	_ =	shalt  }
0x5f: {  	_ =	shalt  }
0x60: {  	_ =	shalt  }
0x61: {  	_ =	shalt  }
0x62: {  	_ =	shalt  }
0x63: {  	_ =	shalt  }
0x64: {  	_ =	shalt  }
0x65: {  	_ =	shalt  }
0x66: {  	_ =	shalt  }
0x67: {  	_ =	shalt  }
0x68: {  	_ =	shalt  }
0x69: {  	_ =	shalt  }
0x6a: {  	_ =	shalt  }
0x6b: {  	_ =	shalt  }
0x6c: {  	_ =	shalt  }
0x6d: {  	_ =	shalt  }
0x6e: {  	_ =	shalt  }
0x6f: {  	_ =	shalt  }
0x70: {  	_ =	shalt  }
0x71: {  	_ =	shalt  }
0x72: {  	_ =	shalt  }
0x73: {  	_ =	shalt  }
0x74: {  	_ =	shalt  }
0x75: {  	_ =	shalt  }
0x76: {  	_ =	shalt  }
0x77: {  	_ =	shalt  }
0x78: {  	_ =	shalt  }
0x79: {  	_ =	shalt  }
0x7a: {  	_ =	shalt  }
0x7b: {  	_ =	shalt  }
0x7c: {  	_ =	shalt  }
0x7d: {  	_ =	shalt  }
0x7e: {  	_ =	shalt  }
0x7f: {  	_ =	shalt  }
0x80: {  	_ =	shalt  }
0x81: {  	_ =	shalt  }
0x82: {  	_ =	shalt  }
0x83: {  	_ =	shalt  }
0x84: {  	_ =	shalt  }
0x85: {  	_ =	shalt  }
0x86: {  	_ =	shalt  }
0x87: {  	_ =	shalt  }
.Lfunc_end0:
.L_simem_size_0:
called_computation_lowered:
.L_overlay_start_0:
0x88: {  	s2 =	sld [smem:$0x3FD9]  }
0x89: {  	s3 =	sld [smem:$0x3FFE];
	_ =	sdelay $0x1  }
0x8a: {  	s1 =	srdreg.scid  }
0x8b: {  	s0 =	sand.u32 $0x1, s1  }
0x8c: {  	s17 =	sshll.u32 s0, $0xA;
	s2 =	sadd.s32 s3, s2  }
0x8d: {  	s2 =	sadd.s32 s2, s17  }
0x8e: {  	[smem:$0x3FC4] =	sst s2  }
0x8f: {  	_ = 	snop  }
0x90: {  	s2 =	sld [smem:$0x3FD0];
	(tm) =	ssettm $0x1  }
0x91: {  	s18 =	sld [smem:$0x3FFB];
	_ =	sdelay $0x3  }
0x92: {  	_ =	strace s18  }
0x93: {  	s3 =	sld [smem:$0x3FFC];
	_ =	sdelay $0x3  }
0x94: {  	_ =	strace s3  }
0x95: {  	s3 =	sld [smem:$0x3FFD];
	_ =	sdelay $0x3  }
0x96: {  	_ =	strace s3  }
0x97: {  	_ =	strace $0x8FFFFFFF  }
0x98: {  	s19 =	sld [smem:$0x3FDB];
	_ =	sdelay $0x1  }
0x99: {  	s4 =	simm.s32 $_scs_section_size  }
0x9a: {  	s5 =	simm.s32 $_size__tile_overlayer_lowered;
	s6 =	simm.s32 $_tile_overlayer_lowered  }
0x9b: {  	s22 =	simm.s32 $0x1BFF;
	s21 =	sshll.u32 s6, $0x1;
	s3 =	sadd.s32 s4, s19  }
0x9c: {  	s7 =	simm.s32 $0x0;
	s20 =	sshll.u32 s5, $0x1;
	s5 =	sadd.s32 s21, s3  }
0x9d: {  	[timem:s7], [sflag:s22] =	dma.local [hbm:s5], s20  }
0x9e: {  	_ =	swait.ge [sflag:s22], s20  }
0x9f: {  	s4 =	ssub.s32 $0x0, s20;
	[sflag:s22] =	ssyncset.done $0x0  }
0xa0: {  	[sflag:s22] =	ssyncadd.s32 s4;
	_ =	sdelay $0x1  }
0xa1: {  	s23 =	simm.s32 $0x1B8B  }
0xa2: {  	_ =	swait.ge [sflag:s23], $0x1  }
0xa3: {  	[sflag:s23] =	ssyncset.done $0x0  }
0xa4: {  	s25 =	simm.s32 $0x1B8E;
	s24 =	sld [smem:$0x3FFE];
	[sflag:s23] =	ssyncadd.s32 $0xFFFFFFFF  }
0xa5: {  	s26 =	simm.s32 $execute0_lowered;
	[smem:$0x3FD2] =	sst s25  }
0xa6: {  	s5 =	sshll.u32 s26, $0x1;
	_ =	strace $0x80000049;
	[dreg:$0x1] =	wrdreg $0xFFFFFFFF  }
0xa7: {  	s28 =	simm.s32 $_size_execute0_lowered;
	s3 =	sadd.s32 s3, s5;
	[dreg:$0x0] =	wrdreg $0x0  }
0xa8: {  	s5 =	sshll.u32 s28, $0x1;
	[dreg:$0x2] =	wrdreg s3  }
0xa9: {  	[dreg:$0x3] =	wrdreg s5  }
0xaa: {  	[dreg:$0x4] =	wrdreg $0xC0  }
0xab: {  	_ =	task [dreg:s7], $0x5FFFF  }
0xac: {  	[dreg:$0x1] =	wrdreg $0xFFFFFFFF  }
0xad: {  	[dreg:$0x0] =	wrdreg $0x60  }
0xae: {  	[dreg:$0x2] =	wrdreg s24  }
0xaf: {  	[dreg:$0x3] =	wrdreg s2  }
0xb0: {  	[dreg:$0x4] =	wrdreg $0x91000  }
0xb1: {  	[dreg:$0x5] =	wrdreg $0x9  }
0xb2: {  	_ =	task.clear_ibuf [dreg:s7], $0x6FFFF;
	_ =	strace $0x90000049  }
0xb3: {  	s29 =	simm.s32 $0x9;
	_ =	strace $0x8000004B  }
0xb4: {  	_ =	swait.ge [sflag:s29], $0x1  }
0xb5: {  	[sflag:s29] =	ssyncadd.s32 $0xFFFFFFFF  }
0xb6: {  	_ =	strace $0x9000004B  }
0xb7: {  	_ =	sfence  }
0xb8: {  	s30 =	sld [smem:$0x0];
	_ =	sdelay $0x2  }
0xb9: {  	s31 =	sshll.u32 s1, $0xD;
	s1 =	sshrl.u32 s1, $0x2  }
0xba: {  	s3 =	sand.u32 $0x4000, s31;
	s1 =	sadd.s32 s1, s30  }
0xbb: {  	s0 =	sor.u32 s3, s0;
	s1 =	sshll.u32 s1, $0x11  }
0xbc: {  	s0 =	sor.u32 s1, s0  }
0xbd: {  	s0 =	sadd.s32 $0x8F2B, s0  }
0xbe: {  	[sflag:s0] =	ssyncadd.remote.s32 $0x1  }
0xbf: {  	_ =	sfence.sel $0xFFFF  }
0xc0: {  	[dreg:$0x0] =	wrdreg $0xFFFFFFFF;
	(pc) =	sbr.abs _section_cstart, $3  }
0xc1: {  	[dreg:$0x1] =	wrdreg $0xFFFFFFFF  }
0xc2: {  	_ =	task.clear_ibuf [dreg:s7], $0x2FFFF;
	_ =	strace $0x9FFFFFFF  }
0xc3: {  	(tm) =	ssettm $0x7FFFFFFF  }
tec
execute0_lowered:
.L_overlay_start_1:
0x0: {  	(tag) =	ssettag $0x1  }
0x1: {  	s6 =	rddreg [dreg:$0x0]  }
0x2: {  	s0 =	srdreg.scid;
	s11 =	rddreg [dreg:$0x1]  }
0x3: {  	s2 =	rddreg [dreg:$0x2];
	s3 =	simm.s32 $0x0;
	s15 =	simm.s32 $0x3  }
0x4: {  	s16 =	simm.s32 $0x2800;
	s17 =	simm.s32 $0x80;
	s18 =	simm.s32 $0x5000  }
0x5: {  	s19 =	simm.s32 $0x1;
	s20 =	simm.s32 $0x5080;
	s5 =	sand.u32 $0x1, s0  }
0x6: {  	s21 =	simm.s32 $0x2;
	s0 =	stileid.u32;
	s7 =	smul.u32 $0x140000, s5  }
0x7: {  	[smem:$0x7FF] =	sst s3;
	s1 =	sshll.u32 s5, $0x4;
	s8 =	smul.u32 $0x14000, s0  }
0x8: {  	s9 =	smul.u32 $0x50000, s0;
	s29 =	ssub.s32 $0x2, s5;
	s1 =	sor.u32 s0, s1  }
0x9: {  	s4 =	sadd.s32 $0x2800, s6;
	s31 =	sshrl.u32 s29, $0x1;
	s12 =	smul.u32 $0x500, s1  }
0xa: {  	s1 =	rddreg [dreg:$0x3];
	_ =	strace $0x8000004A;
	s7 =	sadd.s32 s8, s7  }
0xb: {  	s30 =	sshrl.u32 s9, $0x2;
	s14 =	ssub.s32 s29, s31;
	s7 =	sshrl.u32 s7, $0x3  }
0xc: {  	s5 =	sadd.s32 s30, s2;
	s10 =	sadd.s32 s12, s6;
	s13 =	sadd.s32 s7, s6  }
0xd: {  	s6 =	sadd.s32 $0x4000, s5;
	s7 =	sadd.s32 $0x8000, s5;
	s8 =	sadd.s32 $0xC000, s5  }
0xe: {  	s9 =	sadd.s32 $0x10000, s5;
	s11 =	sadd.s32 s11, s12;
	s10 =	sadd.s32 $0x2A800, s10  }
0xf: {  	v0 =	vimm.f32 $0.0e+00;
	s12 =	sadd.s32 $0x34800, s13;
	s13 =	smax.u32 s14, $0x1;
	s14 =	simm.s32 $0x5100  }
.LBB2_1:
0x10: {  	s22 =	simm.s32 $0x0;
	s23 =	simm.s32 $0x200  }
.LBB2_2:
0x11: {  	p0 =	sne.s32 s23, $0xFE00;
	[tilespmem:s22+$0x5170] =	vst v0  }
0x12: {  	[tilespmem:s22+$0x5100] =	vst v0  }
0x13: {  	[tilespmem:s22+$0x5110] =	vst v0  }
.Ltmp0:
0x14: {  	[tilespmem:s22+$0x5120] =	vst v0;
	(pc) =	sbr.rel @p0 .LBB2_2-.Ltmp0, $4  }
0x15: {  	[tilespmem:s22+$0x5130] =	vst v0  }
0x16: {  	[tilespmem:s22+$0x5140] =	vst v0  }
0x17: {  	[tilespmem:s22+$0x5150] =	vst v0  }
0x18: {  	[tilespmem:s22+$0x5160] =	vst v0;
	s22 =	sshra.s32 s23, $0x2;
	s23 =	sadd.s32 $0x200, s23  }
0x19: {  	[tilespmem:s22+$0x5170] =	vst v0  }
0x1a: {  	[tilespmem:s22+$0x5100] =	vst v0  }
0x1b: {  	[tilespmem:s22+$0x5110] =	vst v0  }
0x1c: {  	[tilespmem:s22+$0x5120] =	vst v0  }
0x1d: {  	[tilespmem:s22+$0x5130] =	vst v0  }
0x1e: {  	[tilespmem:s22+$0x5140] =	vst v0  }
0x1f: {  	[tilespmem:s22+$0x5150] =	vst v0  }
0x20: {  	[tilespmem:s22+$0x5160] =	vst v0  }
0x21: {  	[spmem:s5] =	stream.linear.scatter [tilespmem:s14], [sflag:$0x3], $0x4000, $0x38;
	[tilespmem:$0x1D100] =	vst v63  }
0x22: {  	_ =	swait.ge [sflag:s15], $0x4000  }
0x23: {  	[sflag:s15] =	ssyncset.done $0x0  }
0x24: {  	[sflag:s15] =	ssyncadd.s32 $0xFFFFC000  }
0x25: {  	[spmem:s6] =	stream.linear.scatter [tilespmem:s14], [sflag:$0x3], $0x4000, $0x38;
	[tilespmem:$0x1D100] =	vst v63  }
0x26: {  	_ =	swait.ge [sflag:s15], $0x4000  }
0x27: {  	[sflag:s15] =	ssyncset.done $0x0  }
0x28: {  	[sflag:s15] =	ssyncadd.s32 $0xFFFFC000  }
0x29: {  	[spmem:s7] =	stream.linear.scatter [tilespmem:s14], [sflag:$0x3], $0x4000, $0x38;
	[tilespmem:$0x1D100] =	vst v63  }
0x2a: {  	_ =	swait.ge [sflag:s15], $0x4000  }
0x2b: {  	[sflag:s15] =	ssyncset.done $0x0  }
0x2c: {  	[sflag:s15] =	ssyncadd.s32 $0xFFFFC000  }
0x2d: {  	[spmem:s8] =	stream.linear.scatter [tilespmem:s14], [sflag:$0x3], $0x4000, $0x38;
	[tilespmem:$0x1D100] =	vst v63  }
0x2e: {  	_ =	swait.ge [sflag:s15], $0x4000  }
0x2f: {  	[sflag:s15] =	ssyncset.done $0x0  }
0x30: {  	[sflag:s15] =	ssyncadd.s32 $0xFFFFC000  }
0x31: {  	[spmem:s9] =	stream.linear.scatter [tilespmem:s14], [sflag:$0x3], $0x4000, $0x38;
	[tilespmem:$0x1D100] =	vst v63  }
0x32: {  	_ =	swait.ge [sflag:s15], $0x4000  }
0x33: {  	[sflag:s15] =	ssyncset.done $0x0  }
0x34: {  	[sflag:s15] =	ssyncadd.s32 $0xFFFFC000  }
0x35: {  	s30 =	simm.s32 $0x0;
	[bflag:$0x0] =	sbarrier.arrive $0xFFFF  }
0x36: {  	[tilespmem:s30], [sflag:$0x3] =	stream.linear.gather [hbm4b:s10+s30], $0x2800, $0x38;
	[tilespmem:$0x1D100] =	vst v63  }
0x37: {  	_ =	swait.ge [sflag:s15], $0x2800  }
0x38: {  	[sflag:s15] =	ssyncset.done $0x0  }
0x39: {  	[sflag:s15] =	ssyncadd.s32 $0xFFFFD800  }
0x3a: {  	[tilespmem:s16], [sflag:$0x3] =	stream.linear.gather [hbm4b:s11+s30], $0x2800, $0x38;
	[tilespmem:$0x1D100] =	vst v63  }
0x3b: {  	_ =	swait.ge [sflag:s15], $0x2800  }
0x3c: {  	[sflag:s15] =	ssyncset.done $0x0  }
0x3d: {  	s31 =	simm.s32 $0x0;
	[sflag:s15] =	ssyncadd.s32 $0xFFFFD800  }
0x3e: {  	v1 =	vld [tilespmem:s31+$0x0];
	_ =	sdelay $0x4  }
0x3f: {  	[tilespmem:$0x5000] =	vst v1  }
0x40: {  	v1 =	vld [tilespmem:s31+$0x2800];
	_ =	sdelay $0x4  }
0x41: {  	[tilespmem:$0x5080] =	vst v1  }
0x42: {  	v1 =	vld [tilespmem:s31+$0x10];
	_ =	sdelay $0x4  }
0x43: {  	[tilespmem:$0x5010] =	vst v1  }
0x44: {  	v1 =	vld [tilespmem:s31+$0x2810];
	_ =	sdelay $0x4  }
0x45: {  	[tilespmem:$0x5090] =	vst v1  }
0x46: {  	v1 =	vld [tilespmem:s31+$0x20];
	_ =	sdelay $0x4  }
0x47: {  	[tilespmem:$0x5020] =	vst v1  }
0x48: {  	v1 =	vld [tilespmem:s31+$0x2820];
	_ =	sdelay $0x4  }
0x49: {  	[tilespmem:$0x50A0] =	vst v1  }
0x4a: {  	v1 =	vld [tilespmem:s31+$0x30];
	_ =	sdelay $0x4  }
0x4b: {  	[tilespmem:$0x5030] =	vst v1  }
0x4c: {  	v1 =	vld [tilespmem:s31+$0x2830];
	_ =	sdelay $0x4  }
0x4d: {  	[tilespmem:$0x50B0] =	vst v1  }
0x4e: {  	v1 =	vld [tilespmem:s31+$0x40];
	_ =	sdelay $0x4  }
0x4f: {  	[tilespmem:$0x5040] =	vst v1  }
0x50: {  	v1 =	vld [tilespmem:s31+$0x2840];
	_ =	sdelay $0x4  }
0x51: {  	[tilespmem:$0x50C0] =	vst v1  }
0x52: {  	v1 =	vld [tilespmem:s31+$0x50];
	_ =	sdelay $0x4  }
0x53: {  	[tilespmem:$0x5050] =	vst v1  }
0x54: {  	v1 =	vld [tilespmem:s31+$0x2850];
	_ =	sdelay $0x4  }
0x55: {  	[tilespmem:$0x50D0] =	vst v1  }
0x56: {  	v1 =	vld [tilespmem:s31+$0x60];
	_ =	sdelay $0x4  }
0x57: {  	[tilespmem:$0x5060] =	vst v1  }
0x58: {  	v1 =	vld [tilespmem:s31+$0x2860];
	_ =	sdelay $0x4  }
0x59: {  	[tilespmem:$0x50E0] =	vst v1  }
0x5a: {  	v1 =	vld [tilespmem:s31+$0x70];
	_ =	sdelay $0x4  }
0x5b: {  	[tilespmem:$0x5070] =	vst v1  }
0x5c: {  	v1 =	vld [tilespmem:s31+$0x2870];
	_ =	sdelay $0x4  }
0x5d: {  	[tilespmem:$0x50F0] =	vst v1  }
0x5e: {  	[tilespmem:s14], [sflag:$0x1] =	stream.indirect.gather [hbm4b:s4+s17], $0x80, s18, s17, $0xb8;
	[tilespmem:$0x1D100] =	vst v63  }
0x5f: {  	_ =	swait.ge [sflag:s19], $0x4000  }
0x60: {  	[sflag:s19] =	ssyncset.done $0x0  }
0x61: {  	[sflag:s19] =	ssyncadd.s32 $0xFFFFC000  }
0x62: {  	[spmem:s2] =	stream.indirect.scatter.add.f32 [tilespmem:s14], [sflag:$0x2], $0x80, s20, s17, $0xb8;
	[tilespmem:$0x1D100] =	vst v63  }
0x63: {  	_ =	swait.ge [sflag:s21], $0x4000  }
0x64: {  	s22 =	simm.s32 $0x200;
	s25 =	simm.s32 $0x400;
	[sflag:s21] =	ssyncset.done $0x0  }
.LBB2_4:
0x65: {  	s24 =	sshra.s32 s22, $0x2  }
0x66: {  	[sflag:s21] =	ssyncadd.s32 $0xFFFFC000;
	s22 =	smov.u32 s25;
	s23 =	sadd.s32 $0x200, s25  }
0x67: {  	p0 =	sne.s32 s25, $0x9E00;
	v1 =	vld [tilespmem:s24+$0x0];
	_ =	sdelay $0x4  }
0x68: {  	[tilespmem:$0x5000] =	vst v1  }
0x69: {  	v1 =	vld [tilespmem:s24+$0x2800];
	_ =	sdelay $0x4  }
0x6a: {  	[tilespmem:$0x5080] =	vst v1  }
0x6b: {  	v1 =	vld [tilespmem:s24+$0x10];
	_ =	sdelay $0x4  }
0x6c: {  	[tilespmem:$0x5010] =	vst v1  }
0x6d: {  	v1 =	vld [tilespmem:s24+$0x2810];
	_ =	sdelay $0x4  }
0x6e: {  	[tilespmem:$0x5090] =	vst v1  }
0x6f: {  	v1 =	vld [tilespmem:s24+$0x20];
	_ =	sdelay $0x4  }
0x70: {  	[tilespmem:$0x5020] =	vst v1  }
0x71: {  	v1 =	vld [tilespmem:s24+$0x2820];
	_ =	sdelay $0x4  }
0x72: {  	[tilespmem:$0x50A0] =	vst v1  }
0x73: {  	v1 =	vld [tilespmem:s24+$0x30];
	_ =	sdelay $0x4  }
0x74: {  	[tilespmem:$0x5030] =	vst v1  }
0x75: {  	v1 =	vld [tilespmem:s24+$0x2830];
	_ =	sdelay $0x4  }
0x76: {  	[tilespmem:$0x50B0] =	vst v1  }
0x77: {  	v1 =	vld [tilespmem:s24+$0x40];
	_ =	sdelay $0x4  }
0x78: {  	[tilespmem:$0x5040] =	vst v1  }
0x79: {  	v1 =	vld [tilespmem:s24+$0x2840];
	_ =	sdelay $0x4  }
0x7a: {  	[tilespmem:$0x50C0] =	vst v1  }
0x7b: {  	v1 =	vld [tilespmem:s24+$0x50];
	_ =	sdelay $0x4  }
0x7c: {  	[tilespmem:$0x5050] =	vst v1  }
0x7d: {  	v1 =	vld [tilespmem:s24+$0x2850];
	_ =	sdelay $0x4  }
0x7e: {  	[tilespmem:$0x50D0] =	vst v1  }
0x7f: {  	v1 =	vld [tilespmem:s24+$0x60];
	_ =	sdelay $0x4  }
0x80: {  	[tilespmem:$0x5060] =	vst v1  }
0x81: {  	v1 =	vld [tilespmem:s24+$0x2860];
	_ =	sdelay $0x4  }
0x82: {  	[tilespmem:$0x50E0] =	vst v1  }
0x83: {  	v1 =	vld [tilespmem:s24+$0x70];
	_ =	sdelay $0x4  }
0x84: {  	[tilespmem:$0x5070] =	vst v1  }
0x85: {  	v1 =	vld [tilespmem:s24+$0x2870];
	_ =	sdelay $0x4  }
0x86: {  	[tilespmem:$0x50F0] =	vst v1  }
0x87: {  	[tilespmem:s14], [sflag:$0x1] =	stream.indirect.gather [hbm4b:s4+s17], $0x80, s18, s17, $0xb8;
	[tilespmem:$0x1D100] =	vst v63  }
0x88: {  	_ =	swait.ge [sflag:s19], $0x4000  }
.Ltmp1:
0x89: {  	[sflag:s19] =	ssyncset.done $0x0;
	(pc) =	sbr.rel @p0 .LBB2_4-.Ltmp1, $4  }
0x8a: {  	[sflag:s19] =	ssyncadd.s32 $0xFFFFC000  }
0x8b: {  	[spmem:s2] =	stream.indirect.scatter.add.f32 [tilespmem:s14], [sflag:$0x2], $0x80, s20, s17, $0xb8;
	[tilespmem:$0x1D100] =	vst v63  }
0x8c: {  	_ =	swait.ge [sflag:s21], $0x4000  }
0x8d: {  	s25 =	smov.u32 s23;
	[sflag:s21] =	ssyncset.done $0x0  }
0x8e: {  	s22 =	sshra.s32 s22, $0x2;
	[sflag:s21] =	ssyncadd.s32 $0xFFFFC000  }
0x8f: {  	v1 =	vld [tilespmem:s22+$0x0];
	_ =	sdelay $0x4  }
0x90: {  	[tilespmem:$0x5000] =	vst v1  }
0x91: {  	v1 =	vld [tilespmem:s22+$0x2800];
	_ =	sdelay $0x4  }
0x92: {  	[tilespmem:$0x5080] =	vst v1  }
0x93: {  	v1 =	vld [tilespmem:s22+$0x10];
	_ =	sdelay $0x4  }
0x94: {  	[tilespmem:$0x5010] =	vst v1  }
0x95: {  	v1 =	vld [tilespmem:s22+$0x2810];
	_ =	sdelay $0x4  }
0x96: {  	[tilespmem:$0x5090] =	vst v1  }
0x97: {  	v1 =	vld [tilespmem:s22+$0x20];
	_ =	sdelay $0x4  }
0x98: {  	[tilespmem:$0x5020] =	vst v1  }
0x99: {  	v1 =	vld [tilespmem:s22+$0x2820];
	_ =	sdelay $0x4  }
0x9a: {  	[tilespmem:$0x50A0] =	vst v1  }
0x9b: {  	v1 =	vld [tilespmem:s22+$0x30];
	_ =	sdelay $0x4  }
0x9c: {  	[tilespmem:$0x5030] =	vst v1  }
0x9d: {  	v1 =	vld [tilespmem:s22+$0x2830];
	_ =	sdelay $0x4  }
0x9e: {  	[tilespmem:$0x50B0] =	vst v1  }
0x9f: {  	v1 =	vld [tilespmem:s22+$0x40];
	_ =	sdelay $0x4  }
0xa0: {  	[tilespmem:$0x5040] =	vst v1  }
0xa1: {  	v1 =	vld [tilespmem:s22+$0x2840];
	_ =	sdelay $0x4  }
0xa2: {  	[tilespmem:$0x50C0] =	vst v1  }
0xa3: {  	v1 =	vld [tilespmem:s22+$0x50];
	_ =	sdelay $0x4  }
0xa4: {  	[tilespmem:$0x5050] =	vst v1  }
0xa5: {  	v1 =	vld [tilespmem:s22+$0x2850];
	_ =	sdelay $0x4  }
0xa6: {  	[tilespmem:$0x50D0] =	vst v1  }
0xa7: {  	v1 =	vld [tilespmem:s22+$0x60];
	_ =	sdelay $0x4  }
0xa8: {  	[tilespmem:$0x5060] =	vst v1  }
0xa9: {  	v1 =	vld [tilespmem:s22+$0x2860];
	_ =	sdelay $0x4  }
0xaa: {  	[tilespmem:$0x50E0] =	vst v1  }
0xab: {  	v1 =	vld [tilespmem:s22+$0x70];
	_ =	sdelay $0x4  }
0xac: {  	[tilespmem:$0x5070] =	vst v1  }
0xad: {  	v1 =	vld [tilespmem:s22+$0x2870];
	_ =	sdelay $0x4  }
0xae: {  	[tilespmem:$0x50F0] =	vst v1  }
0xaf: {  	[tilespmem:s14], [sflag:$0x1] =	stream.indirect.gather [hbm4b:s4+s17], $0x80, s18, s17, $0xb8;
	[tilespmem:$0x1D100] =	vst v63  }
0xb0: {  	_ =	swait.ge [sflag:s19], $0x4000  }
0xb1: {  	[sflag:s19] =	ssyncset.done $0x0  }
0xb2: {  	[sflag:s19] =	ssyncadd.s32 $0xFFFFC000  }
0xb3: {  	[spmem:s2] =	stream.indirect.scatter.add.f32 [tilespmem:s14], [sflag:$0x2], $0x80, s20, s17, $0xb8;
	[tilespmem:$0x1D100] =	vst v63  }
0xb4: {  	_ =	swait.ge [sflag:s21], $0x4000  }
0xb5: {  	s31 =	sshll.u32 s0, $0x6;
	s3 =	sadd.s32 $0x1, s3;
	[sflag:s21] =	ssyncset.done $0x0  }
0xb6: {  	s23 =	sshrl.u32 s5, $0x3;
	p0 =	sne.s32 s3, s13;
	[sflag:s21] =	ssyncadd.s32 $0xFFFFC000  }
.Ltmp2:
0xb7: {  	s22 =	sor.u32 $0x1C03, s31;
	[bflag:$0x0] =	sbarrier.arrive $0xFFFF;
	(pc) =	sbr.rel @p0 .LBB2_1-.Ltmp2, $4  }
0xb8: {  	[hbm:s12], [sflag:s22] =	dma.local [spmem:s23], $0x2800  }
0xb9: {  	_ =	swait.ge [sflag:s15], $0x2800  }
0xba: {  	[sflag:s15] =	ssyncset.done $0x0  }
0xbb: {  	[sflag:s15] =	ssyncadd.s32 $0xFFFFD800  }
0xbc: {  	_ =	sfence.sel $0x180000  }
0xbd: {  	[bflag:$0x0] =	sbarrier.arrive $0xFFFF  }
0xbe: {  	p0 =	sne.s32 s0, $0x0;
	_ =	strace $0x9000004A  }
0xbf: {  	s0 =	sadd.s32 @!p0 $0x100000, s1;
	[bflag:$0x2] =	sbarrier.arrive $0xFFFF  }
0xc0: {  	[sflag:s0] =	ssyncadd.tile.s32 @!p0 $0x1;
	_ =	shalt  }
.Lfunc_end2:
_tile_overlayer_lowered:
.L_overlay_start_2:
0xc1: {  	(tag) =	ssettag $0x2  }
0xc2: {  	s0 =	rddreg [dreg:$0x0];
	s2 =	stileid.u32  }
0xc3: {  	s1 =	rddreg [dreg:$0x1];
	p0 =	sne.s32 s2, $0x0  }
0xc4: {  	s3 =	rddreg [dreg:$0x2];
	[bflag:$0x3] =	sbarrier.arrive $0xFFFF;
	s2 =	simm.s32 @!p0 $0x1C03  }
0xc5: {  	[timem:s3], [sflag:s2] =	dma.local @!p0 [hbm:s0], s1  }
0xc6: {  	s0 =	simm.s32 @!p0 $0x3  }
0xc7: {  	_ =	swait.ge @!p0 [sflag:s0], s1  }
0xc8: {  	s1 =	ssub.s32 @!p0 $0x0, s1;
	[sflag:s0] =	ssyncset.done @!p0 $0x0  }
0xc9: {  	[sflag:s0] =	ssyncadd.s32 @!p0 s1  }
0xca: {  	[bflag:$0x3] =	sbarrier.arrive $0xFFFF  }
0xcb: {  	_ =	shalt  }

// kernel: kernel.4.cloned.1.call-start
scs
__scs_entry_jumppad:
0x0: {  	(pc) =	sbr.rel $0x88, $3  }
0x1: {  	(tag) =	ssettag $0x0;
	lr =	simm.s32 $0x1  }
0x2: {  	[smem:$0x3F9D] =	sst lr;
	_ =	strace $0xD0000000  }
0x3: {  	_ = 	snop  }
0x4: {  	_ = 	snop  }
0x5: {  	_ = 	snop  }
0x6: {  	_ = 	snop  }
0x7: {  	_ = 	snop  }
__scs_overlays_trampoline_lowered:
0x8: {  	[smem:$0x3FAC] =	sst s0  }
0x9: {  	[smem:$0x3FAD] =	sst s1  }
0xa: {  	[smem:$0x3FAE] =	sst s2  }
0xb: {  	[smem:$0x3FAF] =	sst s3  }
0xc: {  	[smem:$0x3FB0] =	sst s4  }
0xd: {  	[smem:$0x3FB1] =	sst s5  }
0xe: {  	[smem:$0x3FB2] =	sst s6  }
0xf: {  	[smem:$0x3FB3] =	sst s7  }
0x10: {  	[smem:$0x3FB4] =	sst s8  }
0x11: {  	[smem:$0x3FB5] =	sst s9;
	s0 =	simm.s32 @!p0 $0x0  }
0x12: {  	s1 =	sld [smem:$0x3F9B];
	s0 =	simm.s32 @p0 $0x1  }
0x13: {  	[smem:$0x3FB6] =	sst s0;
	s0 =	simm.s32 @!p1 $0x0  }
0x14: {  	s2 =	sld [smem:$0x3F9A];
	s0 =	simm.s32 @p1 $0x1  }
0x15: {  	[smem:$0x3FB7] =	sst s0;
	s0 =	simm.s32 @!p2 $0x0  }
0x16: {  	s3 =	sld [smem:$0x3FDB];
	s0 =	simm.s32 @p2 $0x1  }
0x17: {  	s4 =	simm.s32 $0x1BF5;
	[smem:$0x3FB9] =	sst s0  }
0x18: {  	s0 =	sld [smem:$0x3F9C];
	_ =	swait.ge [sflag:s4], $0x0  }
0x19: {  	s7 =	sld [smem:$0x3F9D]  }
0x1a: {  	s8 =	sadd.s32 $0xFFFFE003, lr  }
0x1b: {  	s9 =	sadd.s32 $0xFFFFFEF7, lr;
	s5 =	simm.s32 $0xFFFFFFFF;
	p2 =	slt.u32 s8, $0xFFFFF086  }
0x1c: {  	p1 =	slt.u32 s9, $0xF7A;
	s5 =	simm.s32 @!p2 $0x0  }
0x1d: {  	s5 =	simm.s32 @p1 $0x1;
	p0 =	seq.s32 s7, s2  }
0x1e: {  	s7 =	smul.u32 @!p0 $0xF7A, s2;
	p2 =	seq.s32 @!p0 s5, $0x0  }
0x1f: {  	s9 =	smul.u32 $0xF7A, s1;
	s8 =	simm.s32 @!p0 $0x1BF5;
	p2 =	por !p2, p0  }
0x20: {  	[sflag:s8] =	ssyncset.s32 @!p0 $0xFFFFF086;
	s6 =	sadd.s32 @!p0 s3, s7;
	s7 =	simm.s32 @!p0 $0x108  }
0x21: {  	s3 =	sadd.s32 s3, s9;
	s6 =	sadd.s32 @!p0 $0x88, s6;
	s7 =	simm.s32 @p2 $0x1082  }
0x22: {  	[simem:s7], [sflag:s8] =	dma.local @!p0 [hbm:s6], $0xF7A  }
0x23: {  	s9 =	sor.u32 $0xD0000000, s2;
	s6 =	simm.s32 $0x108;
	_ =	swait.ge @!p0 [sflag:s8], $0x0  }
0x24: {  	s3 =	sadd.s32 $0x88, s3;
	s6 =	simm.s32 @!p1 $0x1082;
	[sflag:s4] =	ssyncset.s32 $0xFFFFF086  }
0x25: {  	[simem:s6], [sflag:s4] =	dma.local [hbm:s3], $0xF7A  }
0x26: {  	[smem:$0x3F9D] =	sst s1;
	(tag) =	ssettag s2;
	_ =	strace s9  }
0x27: {  	s1 =	sld [smem:$0x3FAD]  }
0x28: {  	s2 =	sld [smem:$0x3FAE]  }
0x29: {  	s4 =	sld [smem:$0x3FB0]  }
0x2a: {  	p0 =	seq.s32 s5, $0x0;
	s5 =	sld [smem:$0x3FB1]  }
0x2b: {  	s6 =	sld [smem:$0x3FB2]  }
0x2c: {  	s7 =	sld [smem:$0x3FB3]  }
0x2d: {  	s3 =	simm.s32 $0x108;
	s8 =	sld [smem:$0x3FB4]  }
0x2e: {  	s3 =	simm.s32 @!p0 $0x1082;
	s9 =	sld [smem:$0x3FB5]  }
0x2f: {  	lr =	sadd.s32 s0, s3;
	s0 =	sld [smem:$0x3FAC]  }
0x30: {  	s3 =	sld [smem:$0x3FAF]  }
0x31: {  	[smem:$0x3FB8] =	sst s10  }
0x32: {  	s10 =	sld [smem:$0x3FB6];
	_ =	sdelay $0x3  }
0x33: {  	p0 =	seq.s32 s10, $0x1;
	s10 =	sld [smem:$0x3FB8];
	_ =	sdelay $0x3  }
0x34: {  	[smem:$0x3FB8] =	sst s10  }
0x35: {  	s10 =	sld [smem:$0x3FB7];
	_ =	sdelay $0x3  }
0x36: {  	p1 =	seq.s32 s10, $0x1;
	s10 =	sld [smem:$0x3FB8];
	_ =	sdelay $0x3  }
0x37: {  	[smem:$0x3FB8] =	sst s10  }
0x38: {  	s10 =	sld [smem:$0x3FB9]  }
0x39: {  	_ = 	snop;
	(pc) =	sbr.ind lr, $3  }
0x3a: {  	_ = 	snop  }
0x3b: {  	_ = 	snop  }
0x3c: {  	p2 =	seq.s32 s10, $0x1;
	s10 =	sld [smem:$0x3FB8]  }
0x3d: {  	_ =	shalt  }
0x3e: {  	_ =	shalt  }
0x3f: {  	_ =	shalt  }
0x40: {  	_ =	shalt  }
0x41: {  	_ =	shalt  }
0x42: {  	_ =	shalt  }
0x43: {  	_ =	shalt  }
0x44: {  	_ =	shalt  }
0x45: {  	_ =	shalt  }
0x46: {  	_ =	shalt  }
0x47: {  	_ =	shalt  }
0x48: {  	_ =	shalt  }
0x49: {  	_ =	shalt  }
0x4a: {  	_ =	shalt  }
0x4b: {  	_ =	shalt  }
0x4c: {  	_ =	shalt  }
0x4d: {  	_ =	shalt  }
0x4e: {  	_ =	shalt  }
0x4f: {  	_ =	shalt  }
0x50: {  	_ =	shalt  }
0x51: {  	_ =	shalt  }
0x52: {  	_ =	shalt  }
0x53: {  	_ =	shalt  }
0x54: {  	_ =	shalt  }
0x55: {  	_ =	shalt  }
0x56: {  	_ =	shalt  }
0x57: {  	_ =	shalt  }
0x58: {  	_ =	shalt  }
0x59: {  	_ =	shalt  }
0x5a: {  	_ =	shalt  }
0x5b: {  	_ =	shalt  }
0x5c: {  	_ =	shalt  }
0x5d: {  	_ =	shalt  }
0x5e: {  	_ =	shalt  }
0x5f: {  	_ =	shalt  }
0x60: {  	_ =	shalt  }
0x61: {  	_ =	shalt  }
0x62: {  	_ =	shalt  }
0x63: {  	_ =	shalt  }
0x64: {  	_ =	shalt  }
0x65: {  	_ =	shalt  }
0x66: {  	_ =	shalt  }
0x67: {  	_ =	shalt  }
0x68: {  	_ =	shalt  }
0x69: {  	_ =	shalt  }
0x6a: {  	_ =	shalt  }
0x6b: {  	_ =	shalt  }
0x6c: {  	_ =	shalt  }
0x6d: {  	_ =	shalt  }
0x6e: {  	_ =	shalt  }
0x6f: {  	_ =	shalt  }
0x70: {  	_ =	shalt  }
0x71: {  	_ =	shalt  }
0x72: {  	_ =	shalt  }
0x73: {  	_ =	shalt  }
0x74: {  	_ =	shalt  }
0x75: {  	_ =	shalt  }
0x76: {  	_ =	shalt  }
0x77: {  	_ =	shalt  }
0x78: {  	_ =	shalt  }
0x79: {  	_ =	shalt  }
0x7a: {  	_ =	shalt  }
0x7b: {  	_ =	shalt  }
0x7c: {  	_ =	shalt  }
0x7d: {  	_ =	shalt  }
0x7e: {  	_ =	shalt  }
0x7f: {  	_ =	shalt  }
0x80: {  	_ =	shalt  }
0x81: {  	_ =	shalt  }
0x82: {  	_ =	shalt  }
0x83: {  	_ =	shalt  }
0x84: {  	_ =	shalt  }
0x85: {  	_ =	shalt  }
0x86: {  	_ =	shalt  }
0x87: {  	_ =	shalt  }
.Lfunc_end0:
.L_simem_size_0:
called_computation.1_lowered:
.L_overlay_start_0:
0x88: {  	s2 =	sld [smem:$0x3FD9]  }
0x89: {  	s3 =	sld [smem:$0x3FFE];
	_ =	sdelay $0x1  }
0x8a: {  	s1 =	srdreg.scid  }
0x8b: {  	s0 =	sand.u32 $0x1, s1  }
0x8c: {  	s17 =	sshll.u32 s0, $0xA;
	s2 =	sadd.s32 s3, s2  }
0x8d: {  	s2 =	sadd.s32 s2, s17  }
0x8e: {  	[smem:$0x3FC4] =	sst s2  }
0x8f: {  	_ = 	snop  }
0x90: {  	s2 =	sld [smem:$0x3FD0];
	(tm) =	ssettm $0x1  }
0x91: {  	s18 =	sld [smem:$0x3FFB];
	_ =	sdelay $0x3  }
0x92: {  	_ =	strace s18  }
0x93: {  	s3 =	sld [smem:$0x3FFC];
	_ =	sdelay $0x3  }
0x94: {  	_ =	strace s3  }
0x95: {  	s3 =	sld [smem:$0x3FFD];
	_ =	sdelay $0x3  }
0x96: {  	_ =	strace s3  }
0x97: {  	_ =	strace $0x8FFFFFFF  }
0x98: {  	s19 =	sld [smem:$0x3FDB];
	_ =	sdelay $0x1  }
0x99: {  	s4 =	simm.s32 $_scs_section_size  }
0x9a: {  	s5 =	simm.s32 $_size__tile_overlayer_lowered;
	s6 =	simm.s32 $_tile_overlayer_lowered  }
0x9b: {  	s22 =	simm.s32 $0x1BFF;
	s21 =	sshll.u32 s6, $0x1;
	s3 =	sadd.s32 s4, s19  }
0x9c: {  	s7 =	simm.s32 $0x0;
	s20 =	sshll.u32 s5, $0x1;
	s5 =	sadd.s32 s21, s3  }
0x9d: {  	[timem:s7], [sflag:s22] =	dma.local [hbm:s5], s20  }
0x9e: {  	_ =	swait.ge [sflag:s22], s20  }
0x9f: {  	s4 =	ssub.s32 $0x0, s20;
	[sflag:s22] =	ssyncset.done $0x0  }
0xa0: {  	[sflag:s22] =	ssyncadd.s32 s4;
	_ =	sdelay $0x1  }
0xa1: {  	s23 =	simm.s32 $0x1B8B  }
0xa2: {  	_ =	swait.ge [sflag:s23], $0x1  }
0xa3: {  	[sflag:s23] =	ssyncset.done $0x0  }
0xa4: {  	s25 =	simm.s32 $0x1B8E;
	s24 =	sld [smem:$0x3FFE];
	[sflag:s23] =	ssyncadd.s32 $0xFFFFFFFF  }
0xa5: {  	s26 =	simm.s32 $execute0_lowered;
	[smem:$0x3FD2] =	sst s25  }
0xa6: {  	s5 =	sshll.u32 s26, $0x1;
	_ =	strace $0x80000046;
	[dreg:$0x1] =	wrdreg $0xFFFFFFFF  }
0xa7: {  	s28 =	simm.s32 $_size_execute0_lowered;
	s3 =	sadd.s32 s3, s5;
	[dreg:$0x0] =	wrdreg $0x0  }
0xa8: {  	s5 =	sshll.u32 s28, $0x1;
	[dreg:$0x2] =	wrdreg s3  }
0xa9: {  	[dreg:$0x3] =	wrdreg s5  }
0xaa: {  	[dreg:$0x4] =	wrdreg $0xC0  }
0xab: {  	_ =	task [dreg:s7], $0x5FFFF  }
0xac: {  	[dreg:$0x1] =	wrdreg $0xFFFFFFFF  }
0xad: {  	[dreg:$0x0] =	wrdreg $0x60  }
0xae: {  	[dreg:$0x2] =	wrdreg s2  }
0xaf: {  	[dreg:$0x3] =	wrdreg s24  }
0xb0: {  	[dreg:$0x4] =	wrdreg $0x2D000  }
0xb1: {  	[dreg:$0x5] =	wrdreg $0x9  }
0xb2: {  	_ =	task.clear_ibuf [dreg:s7], $0x6FFFF;
	_ =	strace $0x90000046  }
0xb3: {  	s29 =	simm.s32 $0x9;
	_ =	strace $0x80000048  }
0xb4: {  	_ =	swait.ge [sflag:s29], $0x1  }
0xb5: {  	[sflag:s29] =	ssyncadd.s32 $0xFFFFFFFF  }
0xb6: {  	_ =	strace $0x90000048  }
0xb7: {  	_ =	sfence  }
0xb8: {  	s30 =	sld [smem:$0x0];
	_ =	sdelay $0x2  }
0xb9: {  	s31 =	sshll.u32 s1, $0xD;
	s1 =	sshrl.u32 s1, $0x2  }
0xba: {  	s3 =	sand.u32 $0x4000, s31;
	s1 =	sadd.s32 s1, s30  }
0xbb: {  	s0 =	sor.u32 s3, s0;
	s1 =	sshll.u32 s1, $0x11  }
0xbc: {  	s0 =	sor.u32 s1, s0  }
0xbd: {  	s0 =	sadd.s32 $0x8F2B, s0  }
0xbe: {  	[sflag:s0] =	ssyncadd.remote.s32 $0x1  }
0xbf: {  	_ =	sfence.sel $0xFFFF  }
0xc0: {  	[dreg:$0x0] =	wrdreg $0xFFFFFFFF;
	(pc) =	sbr.abs _section_cstart, $3  }
0xc1: {  	[dreg:$0x1] =	wrdreg $0xFFFFFFFF  }
0xc2: {  	_ =	task.clear_ibuf [dreg:s7], $0x2FFFF;
	_ =	strace $0x9FFFFFFF  }
0xc3: {  	(tm) =	ssettm $0x7FFFFFFF  }
tec
execute0_lowered:
.L_overlay_start_1:
0x0: {  	(tag) =	ssettag $0x1  }
0x1: {  	s5 =	rddreg [dreg:$0x0]  }
0x2: {  	s1 =	srdreg.scid;
	s4 =	rddreg [dreg:$0x1]  }
0x3: {  	s0 =	stileid.u32;
	s2 =	rddreg [dreg:$0x2]  }
0x4: {  	s3 =	simm.s32 $0x0;
	s11 =	simm.s32 $0x2800;
	s12 =	simm.s32 $0x2A00  }
0x5: {  	s13 =	simm.s32 $0x2880;
	s14 =	simm.s32 $0x2900;
	s15 =	simm.s32 $0x2980  }
0x6: {  	s16 =	simm.s32 $0x1;
	s6 =	sand.u32 $0x1, s1;
	s1 =	rddreg [dreg:$0x3]  }
0x7: {  	s19 =	simm.s32 $0x0;
	s7 =	smul.u32 $0x280, s0;
	[smem:$0x7FF] =	sst s3  }
0x8: {  	s17 =	sshll.u32 s0, $0x6;
	s8 =	smul.u32 $0x2800, s6;
	s9 =	sshll.u32 s6, $0x4  }
0x9: {  	s6 =	ssub.s32 $0x2, s6;
	_ =	strace $0x80000047;
	s9 =	sor.u32 s0, s9  }
0xa: {  	s31 =	sshrl.u32 s6, $0x1;
	s8 =	sadd.s32 s7, s8;
	s9 =	smul.u32 $0x500, s9  }
0xb: {  	s17 =	sor.u32 $0x1C02, s17;
	s10 =	ssub.s32 s6, s31;
	s8 =	sshrl.u32 s8, $0x3  }
0xc: {  	s8 =	sadd.s32 s8, s4;
	s4 =	sadd.s32 s7, s2;
	s5 =	sadd.s32 s5, s9  }
0xd: {  	s7 =	smax.u32 s10, $0x1;
	s9 =	simm.s32 $0x2;
	s10 =	simm.s32 $0x80  }
0xe: {  	v0 =	vimm.f32 $1.000000000e+00;
	v1 =	vimm.f32 $0.0e+00;
	s6 =	sadd.s32 $0x1C00, s8;
	s8 =	simm.s32 $0x2A80;
	s18 =	sshrl.u32 s4, $0x3  }
.LBB2_1:
0xf: {  	[tilespmem:$0x2A00] =	vst v0  }
0x10: {  	[tilespmem:$0x2A10] =	vst v0  }
0x11: {  	[tilespmem:$0x2A20] =	vst v0  }
0x12: {  	[tilespmem:$0x2A30] =	vst v0  }
0x13: {  	[tilespmem:$0x2A40] =	vst v0  }
0x14: {  	[tilespmem:$0x2A50] =	vst v0  }
0x15: {  	[tilespmem:$0x2A60] =	vst v0  }
0x16: {  	[tilespmem:$0x2A70] =	vst v0  }
0x17: {  	[tilespmem:$0x2A80] =	vst v1  }
0x18: {  	[tilespmem:$0x2A90] =	vst v1  }
0x19: {  	[tilespmem:$0x2AA0] =	vst v1  }
0x1a: {  	[tilespmem:$0x2AB0] =	vst v1  }
0x1b: {  	[tilespmem:$0x2AC0] =	vst v1  }
0x1c: {  	[tilespmem:$0x2AD0] =	vst v1  }
0x1d: {  	[tilespmem:$0x2AE0] =	vst v1  }
0x1e: {  	[tilespmem:$0x2AF0] =	vst v1  }
0x1f: {  	[tilespmem:$0x2B00] =	vst v1  }
0x20: {  	[tilespmem:$0x2B10] =	vst v1  }
0x21: {  	[tilespmem:$0x2B20] =	vst v1  }
0x22: {  	[tilespmem:$0x2B30] =	vst v1  }
0x23: {  	[tilespmem:$0x2B40] =	vst v1  }
0x24: {  	[tilespmem:$0x2B50] =	vst v1  }
0x25: {  	[tilespmem:$0x2B60] =	vst v1  }
0x26: {  	[tilespmem:$0x2B70] =	vst v1  }
0x27: {  	[tilespmem:$0x2B80] =	vst v1  }
0x28: {  	[tilespmem:$0x2B90] =	vst v1  }
0x29: {  	[tilespmem:$0x2BA0] =	vst v1  }
0x2a: {  	[tilespmem:$0x2BB0] =	vst v1  }
0x2b: {  	[tilespmem:$0x2BC0] =	vst v1  }
0x2c: {  	[tilespmem:$0x2BD0] =	vst v1  }
0x2d: {  	[tilespmem:$0x2BE0] =	vst v1  }
0x2e: {  	[tilespmem:$0x2BF0] =	vst v1  }
0x2f: {  	[tilespmem:$0x2C00] =	vst v1  }
0x30: {  	[tilespmem:$0x2C10] =	vst v1  }
0x31: {  	[tilespmem:$0x2C20] =	vst v1  }
0x32: {  	[tilespmem:$0x2C30] =	vst v1  }
0x33: {  	[tilespmem:$0x2C40] =	vst v1  }
0x34: {  	[tilespmem:$0x2C50] =	vst v1  }
0x35: {  	[tilespmem:$0x2C60] =	vst v1  }
0x36: {  	[tilespmem:$0x2C70] =	vst v1  }
0x37: {  	[tilespmem:$0x2C80] =	vst v1  }
0x38: {  	[tilespmem:$0x2C90] =	vst v1  }
0x39: {  	[tilespmem:$0x2CA0] =	vst v1  }
0x3a: {  	[tilespmem:$0x2CB0] =	vst v1  }
0x3b: {  	[tilespmem:$0x2CC0] =	vst v1  }
0x3c: {  	[tilespmem:$0x2CD0] =	vst v1  }
0x3d: {  	[tilespmem:$0x2CE0] =	vst v1  }
0x3e: {  	[tilespmem:$0x2CF0] =	vst v1  }
0x3f: {  	[spmem:s4] =	stream.linear.scatter [tilespmem:s8], [sflag:$0x2], $0x280, $0x38;
	[tilespmem:$0x2F80] =	vst v63  }
0x40: {  	_ =	swait.ge [sflag:s9], $0x280  }
0x41: {  	[sflag:s9] =	ssyncset.done $0x0  }
0x42: {  	[sflag:s9] =	ssyncadd.s32 $0xFFFFFD80  }
0x43: {  	[bflag:$0x0] =	sbarrier.arrive $0xFFFF  }
0x44: {  	[tilespmem:s3], [sflag:$0x2] =	stream.linear.gather [hbm4b:s5+s3], $0x2800, $0x38;
	[tilespmem:$0x2F80] =	vst v63  }
0x45: {  	_ =	swait.ge [sflag:s9], $0x2800  }
0x46: {  	[sflag:s9] =	ssyncset.done $0x0  }
0x47: {  	s20 =	simm.s32 $0x0;
	[sflag:s9] =	ssyncadd.s32 $0xFFFFD800  }
0x48: {  	v2 =	vld [tilespmem:s20+$0x0];
	_ =	sdelay $0x4  }
0x49: {  	[tilespmem:$0x2800] =	vst v2  }
0x4a: {  	v2 =	vld [tilespmem:s20+$0x10];
	_ =	sdelay $0x4  }
0x4b: {  	[tilespmem:$0x2810] =	vst v2  }
0x4c: {  	v2 =	vld [tilespmem:s20+$0x20];
	_ =	sdelay $0x4  }
0x4d: {  	[tilespmem:$0x2820] =	vst v2  }
0x4e: {  	v2 =	vld [tilespmem:s20+$0x30];
	_ =	sdelay $0x4  }
0x4f: {  	[tilespmem:$0x2830] =	vst v2  }
0x50: {  	v2 =	vld [tilespmem:s20+$0x40];
	_ =	sdelay $0x4  }
0x51: {  	[tilespmem:$0x2840] =	vst v2  }
0x52: {  	v2 =	vld [tilespmem:s20+$0x50];
	_ =	sdelay $0x4  }
0x53: {  	[tilespmem:$0x2850] =	vst v2  }
0x54: {  	v2 =	vld [tilespmem:s20+$0x60];
	_ =	sdelay $0x4  }
0x55: {  	[tilespmem:$0x2860] =	vst v2  }
0x56: {  	v2 =	vld [tilespmem:s20+$0x70];
	_ =	sdelay $0x4  }
0x57: {  	[tilespmem:$0x2870] =	vst v2  }
0x58: {  	[spmem:s2] =	stream.indirect.scatter.add.f32 [tilespmem:s12], [sflag:$0x1], $0x1, s11, s10, $0xb8;
	[tilespmem:$0x2F80] =	vst v63  }
0x59: {  	v2 =	vld [tilespmem:s20+$0x80];
	_ =	sdelay $0x4  }
0x5a: {  	[tilespmem:$0x2880] =	vst v2  }
0x5b: {  	v2 =	vld [tilespmem:s20+$0x90];
	_ =	sdelay $0x4  }
0x5c: {  	[tilespmem:$0x2890] =	vst v2  }
0x5d: {  	v2 =	vld [tilespmem:s20+$0xA0];
	_ =	sdelay $0x4  }
0x5e: {  	[tilespmem:$0x28A0] =	vst v2  }
0x5f: {  	v2 =	vld [tilespmem:s20+$0xB0];
	_ =	sdelay $0x4  }
0x60: {  	[tilespmem:$0x28B0] =	vst v2  }
0x61: {  	v2 =	vld [tilespmem:s20+$0xC0];
	_ =	sdelay $0x4  }
0x62: {  	[tilespmem:$0x28C0] =	vst v2  }
0x63: {  	v2 =	vld [tilespmem:s20+$0xD0];
	_ =	sdelay $0x4  }
0x64: {  	[tilespmem:$0x28D0] =	vst v2  }
0x65: {  	v2 =	vld [tilespmem:s20+$0xE0];
	_ =	sdelay $0x4  }
0x66: {  	[tilespmem:$0x28E0] =	vst v2  }
0x67: {  	v2 =	vld [tilespmem:s20+$0xF0];
	_ =	sdelay $0x4  }
0x68: {  	[tilespmem:$0x28F0] =	vst v2  }
0x69: {  	[spmem:s2] =	stream.indirect.scatter.add.f32 [tilespmem:s12], [sflag:$0x1], $0x1, s13, s10, $0xb8;
	[tilespmem:$0x2F80] =	vst v63  }
0x6a: {  	v2 =	vld [tilespmem:s20+$0x100];
	_ =	sdelay $0x4  }
0x6b: {  	[tilespmem:$0x2900] =	vst v2  }
0x6c: {  	v2 =	vld [tilespmem:s20+$0x110];
	_ =	sdelay $0x4  }
0x6d: {  	[tilespmem:$0x2910] =	vst v2  }
0x6e: {  	v2 =	vld [tilespmem:s20+$0x120];
	_ =	sdelay $0x4  }
0x6f: {  	[tilespmem:$0x2920] =	vst v2  }
0x70: {  	v2 =	vld [tilespmem:s20+$0x130];
	_ =	sdelay $0x4  }
0x71: {  	[tilespmem:$0x2930] =	vst v2  }
0x72: {  	v2 =	vld [tilespmem:s20+$0x140];
	_ =	sdelay $0x4  }
0x73: {  	[tilespmem:$0x2940] =	vst v2  }
0x74: {  	v2 =	vld [tilespmem:s20+$0x150];
	_ =	sdelay $0x4  }
0x75: {  	[tilespmem:$0x2950] =	vst v2  }
0x76: {  	v2 =	vld [tilespmem:s20+$0x160];
	_ =	sdelay $0x4  }
0x77: {  	[tilespmem:$0x2960] =	vst v2  }
0x78: {  	v2 =	vld [tilespmem:s20+$0x170];
	_ =	sdelay $0x4  }
0x79: {  	[tilespmem:$0x2970] =	vst v2  }
0x7a: {  	[spmem:s2] =	stream.indirect.scatter.add.f32 [tilespmem:s12], [sflag:$0x1], $0x1, s14, s10, $0xb8;
	[tilespmem:$0x2F80] =	vst v63  }
0x7b: {  	v2 =	vld [tilespmem:s20+$0x180];
	_ =	sdelay $0x4  }
0x7c: {  	[tilespmem:$0x2980] =	vst v2  }
0x7d: {  	v2 =	vld [tilespmem:s20+$0x190];
	_ =	sdelay $0x4  }
0x7e: {  	[tilespmem:$0x2990] =	vst v2  }
0x7f: {  	v2 =	vld [tilespmem:s20+$0x1A0];
	_ =	sdelay $0x4  }
0x80: {  	[tilespmem:$0x29A0] =	vst v2  }
0x81: {  	v2 =	vld [tilespmem:s20+$0x1B0];
	_ =	sdelay $0x4  }
0x82: {  	[tilespmem:$0x29B0] =	vst v2  }
0x83: {  	v2 =	vld [tilespmem:s20+$0x1C0];
	_ =	sdelay $0x4  }
0x84: {  	[tilespmem:$0x29C0] =	vst v2  }
0x85: {  	v2 =	vld [tilespmem:s20+$0x1D0];
	_ =	sdelay $0x4  }
0x86: {  	[tilespmem:$0x29D0] =	vst v2  }
0x87: {  	v2 =	vld [tilespmem:s20+$0x1E0];
	_ =	sdelay $0x4  }
0x88: {  	[tilespmem:$0x29E0] =	vst v2  }
0x89: {  	v2 =	vld [tilespmem:s20+$0x1F0];
	_ =	sdelay $0x4  }
0x8a: {  	[tilespmem:$0x29F0] =	vst v2  }
0x8b: {  	[spmem:s2] =	stream.indirect.scatter.add.f32 [tilespmem:s12], [sflag:$0x1], $0x1, s15, s10, $0xb8;
	[tilespmem:$0x2F80] =	vst v63  }
0x8c: {  	_ =	swait.ge [sflag:s16], $0x80  }
0x8d: {  	[sflag:s16] =	ssyncset.done $0x0  }
0x8e: {  	[sflag:s16] =	ssyncadd.s32 $0xFFFFFF80  }
0x8f: {  	_ =	swait.ge [sflag:s16], $0x80  }
0x90: {  	[sflag:s16] =	ssyncset.done $0x0  }
0x91: {  	[sflag:s16] =	ssyncadd.s32 $0xFFFFFF80  }
0x92: {  	_ =	swait.ge [sflag:s16], $0x80  }
0x93: {  	[sflag:s16] =	ssyncset.done $0x0  }
0x94: {  	[sflag:s16] =	ssyncadd.s32 $0xFFFFFF80  }
0x95: {  	_ =	swait.ge [sflag:s16], $0x80  }
0x96: {  	s23 =	simm.s32 $0x1000;
	s20 =	simm.s32 $0x800;
	[sflag:s16] =	ssyncset.done $0x0  }
.LBB2_2:
0x97: {  	s22 =	sshra.s32 s20, $0x2  }
0x98: {  	[sflag:s16] =	ssyncadd.s32 $0xFFFFFF80;
	s20 =	smov.u32 s23;
	s21 =	sadd.s32 $0x800, s23  }
0x99: {  	p0 =	sne.s32 s23, $0x9800;
	v2 =	vld [tilespmem:s22+$0x0];
	_ =	sdelay $0x4  }
0x9a: {  	[tilespmem:$0x2800] =	vst v2  }
0x9b: {  	v2 =	vld [tilespmem:s22+$0x10];
	_ =	sdelay $0x4  }
0x9c: {  	[tilespmem:$0x2810] =	vst v2  }
0x9d: {  	v2 =	vld [tilespmem:s22+$0x20];
	_ =	sdelay $0x4  }
0x9e: {  	[tilespmem:$0x2820] =	vst v2  }
0x9f: {  	v2 =	vld [tilespmem:s22+$0x30];
	_ =	sdelay $0x4  }
0xa0: {  	[tilespmem:$0x2830] =	vst v2  }
0xa1: {  	v2 =	vld [tilespmem:s22+$0x40];
	_ =	sdelay $0x4  }
0xa2: {  	[tilespmem:$0x2840] =	vst v2  }
0xa3: {  	v2 =	vld [tilespmem:s22+$0x50];
	_ =	sdelay $0x4  }
0xa4: {  	[tilespmem:$0x2850] =	vst v2  }
0xa5: {  	v2 =	vld [tilespmem:s22+$0x60];
	_ =	sdelay $0x4  }
0xa6: {  	[tilespmem:$0x2860] =	vst v2  }
0xa7: {  	v2 =	vld [tilespmem:s22+$0x70];
	_ =	sdelay $0x4  }
0xa8: {  	[tilespmem:$0x2870] =	vst v2  }
0xa9: {  	[spmem:s2] =	stream.indirect.scatter.add.f32 [tilespmem:s12], [sflag:$0x1], $0x1, s11, s10, $0xb8;
	[tilespmem:$0x2F80] =	vst v63  }
0xaa: {  	v2 =	vld [tilespmem:s22+$0x80];
	_ =	sdelay $0x4  }
0xab: {  	[tilespmem:$0x2880] =	vst v2  }
0xac: {  	v2 =	vld [tilespmem:s22+$0x90];
	_ =	sdelay $0x4  }
0xad: {  	[tilespmem:$0x2890] =	vst v2  }
0xae: {  	v2 =	vld [tilespmem:s22+$0xA0];
	_ =	sdelay $0x4  }
0xaf: {  	[tilespmem:$0x28A0] =	vst v2  }
0xb0: {  	v2 =	vld [tilespmem:s22+$0xB0];
	_ =	sdelay $0x4  }
0xb1: {  	[tilespmem:$0x28B0] =	vst v2  }
0xb2: {  	v2 =	vld [tilespmem:s22+$0xC0];
	_ =	sdelay $0x4  }
0xb3: {  	[tilespmem:$0x28C0] =	vst v2  }
0xb4: {  	v2 =	vld [tilespmem:s22+$0xD0];
	_ =	sdelay $0x4  }
0xb5: {  	[tilespmem:$0x28D0] =	vst v2  }
0xb6: {  	v2 =	vld [tilespmem:s22+$0xE0];
	_ =	sdelay $0x4  }
0xb7: {  	[tilespmem:$0x28E0] =	vst v2  }
0xb8: {  	v2 =	vld [tilespmem:s22+$0xF0];
	_ =	sdelay $0x4  }
0xb9: {  	[tilespmem:$0x28F0] =	vst v2  }
0xba: {  	[spmem:s2] =	stream.indirect.scatter.add.f32 [tilespmem:s12], [sflag:$0x1], $0x1, s13, s10, $0xb8;
	[tilespmem:$0x2F80] =	vst v63  }
0xbb: {  	v2 =	vld [tilespmem:s22+$0x100];
	_ =	sdelay $0x4  }
0xbc: {  	[tilespmem:$0x2900] =	vst v2  }
0xbd: {  	v2 =	vld [tilespmem:s22+$0x110];
	_ =	sdelay $0x4  }
0xbe: {  	[tilespmem:$0x2910] =	vst v2  }
0xbf: {  	v2 =	vld [tilespmem:s22+$0x120];
	_ =	sdelay $0x4  }
0xc0: {  	[tilespmem:$0x2920] =	vst v2  }
0xc1: {  	v2 =	vld [tilespmem:s22+$0x130];
	_ =	sdelay $0x4  }
0xc2: {  	[tilespmem:$0x2930] =	vst v2  }
0xc3: {  	v2 =	vld [tilespmem:s22+$0x140];
	_ =	sdelay $0x4  }
0xc4: {  	[tilespmem:$0x2940] =	vst v2  }
0xc5: {  	v2 =	vld [tilespmem:s22+$0x150];
	_ =	sdelay $0x4  }
0xc6: {  	[tilespmem:$0x2950] =	vst v2  }
0xc7: {  	v2 =	vld [tilespmem:s22+$0x160];
	_ =	sdelay $0x4  }
0xc8: {  	[tilespmem:$0x2960] =	vst v2  }
0xc9: {  	v2 =	vld [tilespmem:s22+$0x170];
	_ =	sdelay $0x4  }
0xca: {  	[tilespmem:$0x2970] =	vst v2  }
0xcb: {  	[spmem:s2] =	stream.indirect.scatter.add.f32 [tilespmem:s12], [sflag:$0x1], $0x1, s14, s10, $0xb8;
	[tilespmem:$0x2F80] =	vst v63  }
0xcc: {  	v2 =	vld [tilespmem:s22+$0x180];
	_ =	sdelay $0x4  }
0xcd: {  	[tilespmem:$0x2980] =	vst v2  }
0xce: {  	v2 =	vld [tilespmem:s22+$0x190];
	_ =	sdelay $0x4  }
0xcf: {  	[tilespmem:$0x2990] =	vst v2  }
0xd0: {  	v2 =	vld [tilespmem:s22+$0x1A0];
	_ =	sdelay $0x4  }
0xd1: {  	[tilespmem:$0x29A0] =	vst v2  }
0xd2: {  	v2 =	vld [tilespmem:s22+$0x1B0];
	_ =	sdelay $0x4  }
0xd3: {  	[tilespmem:$0x29B0] =	vst v2  }
0xd4: {  	v2 =	vld [tilespmem:s22+$0x1C0];
	_ =	sdelay $0x4  }
0xd5: {  	[tilespmem:$0x29C0] =	vst v2  }
0xd6: {  	v2 =	vld [tilespmem:s22+$0x1D0];
	_ =	sdelay $0x4  }
0xd7: {  	[tilespmem:$0x29D0] =	vst v2  }
0xd8: {  	v2 =	vld [tilespmem:s22+$0x1E0];
	_ =	sdelay $0x4  }
0xd9: {  	[tilespmem:$0x29E0] =	vst v2  }
0xda: {  	v2 =	vld [tilespmem:s22+$0x1F0];
	_ =	sdelay $0x4  }
0xdb: {  	[tilespmem:$0x29F0] =	vst v2  }
0xdc: {  	[spmem:s2] =	stream.indirect.scatter.add.f32 [tilespmem:s12], [sflag:$0x1], $0x1, s15, s10, $0xb8;
	[tilespmem:$0x2F80] =	vst v63  }
0xdd: {  	_ =	swait.ge [sflag:s16], $0x80  }
0xde: {  	[sflag:s16] =	ssyncset.done $0x0  }
0xdf: {  	[sflag:s16] =	ssyncadd.s32 $0xFFFFFF80  }
0xe0: {  	_ =	swait.ge [sflag:s16], $0x80  }
0xe1: {  	[sflag:s16] =	ssyncset.done $0x0  }
0xe2: {  	[sflag:s16] =	ssyncadd.s32 $0xFFFFFF80  }
.Ltmp0:
0xe3: {  	_ =	swait.ge [sflag:s16], $0x80;
	(pc) =	sbr.rel @p0 .LBB2_2-.Ltmp0, $4  }
0xe4: {  	[sflag:s16] =	ssyncset.done $0x0  }
0xe5: {  	[sflag:s16] =	ssyncadd.s32 $0xFFFFFF80  }
0xe6: {  	_ =	swait.ge [sflag:s16], $0x80  }
0xe7: {  	s23 =	smov.u32 s21;
	[sflag:s16] =	ssyncset.done $0x0  }
0xe8: {  	s20 =	sshra.s32 s20, $0x2;
	[sflag:s16] =	ssyncadd.s32 $0xFFFFFF80  }
0xe9: {  	v2 =	vld [tilespmem:s20+$0x0];
	_ =	sdelay $0x4  }
0xea: {  	[tilespmem:$0x2800] =	vst v2  }
0xeb: {  	v2 =	vld [tilespmem:s20+$0x10];
	_ =	sdelay $0x4  }
0xec: {  	[tilespmem:$0x2810] =	vst v2  }
0xed: {  	v2 =	vld [tilespmem:s20+$0x20];
	_ =	sdelay $0x4  }
0xee: {  	[tilespmem:$0x2820] =	vst v2  }
0xef: {  	v2 =	vld [tilespmem:s20+$0x30];
	_ =	sdelay $0x4  }
0xf0: {  	[tilespmem:$0x2830] =	vst v2  }
0xf1: {  	v2 =	vld [tilespmem:s20+$0x40];
	_ =	sdelay $0x4  }
0xf2: {  	[tilespmem:$0x2840] =	vst v2  }
0xf3: {  	v2 =	vld [tilespmem:s20+$0x50];
	_ =	sdelay $0x4  }
0xf4: {  	[tilespmem:$0x2850] =	vst v2  }
0xf5: {  	v2 =	vld [tilespmem:s20+$0x60];
	_ =	sdelay $0x4  }
0xf6: {  	[tilespmem:$0x2860] =	vst v2  }
0xf7: {  	v2 =	vld [tilespmem:s20+$0x70];
	_ =	sdelay $0x4  }
0xf8: {  	[tilespmem:$0x2870] =	vst v2  }
0xf9: {  	[spmem:s2] =	stream.indirect.scatter.add.f32 [tilespmem:s12], [sflag:$0x1], $0x1, s11, s10, $0xb8;
	[tilespmem:$0x2F80] =	vst v63  }
0xfa: {  	v2 =	vld [tilespmem:s20+$0x80];
	_ =	sdelay $0x4  }
0xfb: {  	[tilespmem:$0x2880] =	vst v2  }
0xfc: {  	v2 =	vld [tilespmem:s20+$0x90];
	_ =	sdelay $0x4  }
0xfd: {  	[tilespmem:$0x2890] =	vst v2  }
0xfe: {  	v2 =	vld [tilespmem:s20+$0xA0];
	_ =	sdelay $0x4  }
0xff: {  	[tilespmem:$0x28A0] =	vst v2  }
0x100: {  	v2 =	vld [tilespmem:s20+$0xB0];
	_ =	sdelay $0x4  }
0x101: {  	[tilespmem:$0x28B0] =	vst v2  }
0x102: {  	v2 =	vld [tilespmem:s20+$0xC0];
	_ =	sdelay $0x4  }
0x103: {  	[tilespmem:$0x28C0] =	vst v2  }
0x104: {  	v2 =	vld [tilespmem:s20+$0xD0];
	_ =	sdelay $0x4  }
0x105: {  	[tilespmem:$0x28D0] =	vst v2  }
0x106: {  	v2 =	vld [tilespmem:s20+$0xE0];
	_ =	sdelay $0x4  }
0x107: {  	[tilespmem:$0x28E0] =	vst v2  }
0x108: {  	v2 =	vld [tilespmem:s20+$0xF0];
	_ =	sdelay $0x4  }
0x109: {  	[tilespmem:$0x28F0] =	vst v2  }
0x10a: {  	[spmem:s2] =	stream.indirect.scatter.add.f32 [tilespmem:s12], [sflag:$0x1], $0x1, s13, s10, $0xb8;
	[tilespmem:$0x2F80] =	vst v63  }
0x10b: {  	v2 =	vld [tilespmem:s20+$0x100];
	_ =	sdelay $0x4  }
0x10c: {  	[tilespmem:$0x2900] =	vst v2  }
0x10d: {  	v2 =	vld [tilespmem:s20+$0x110];
	_ =	sdelay $0x4  }
0x10e: {  	[tilespmem:$0x2910] =	vst v2  }
0x10f: {  	v2 =	vld [tilespmem:s20+$0x120];
	_ =	sdelay $0x4  }
0x110: {  	[tilespmem:$0x2920] =	vst v2  }
0x111: {  	v2 =	vld [tilespmem:s20+$0x130];
	_ =	sdelay $0x4  }
0x112: {  	[tilespmem:$0x2930] =	vst v2  }
0x113: {  	v2 =	vld [tilespmem:s20+$0x140];
	_ =	sdelay $0x4  }
0x114: {  	[tilespmem:$0x2940] =	vst v2  }
0x115: {  	v2 =	vld [tilespmem:s20+$0x150];
	_ =	sdelay $0x4  }
0x116: {  	[tilespmem:$0x2950] =	vst v2  }
0x117: {  	v2 =	vld [tilespmem:s20+$0x160];
	_ =	sdelay $0x4  }
0x118: {  	[tilespmem:$0x2960] =	vst v2  }
0x119: {  	v2 =	vld [tilespmem:s20+$0x170];
	_ =	sdelay $0x4  }
0x11a: {  	[tilespmem:$0x2970] =	vst v2  }
0x11b: {  	[spmem:s2] =	stream.indirect.scatter.add.f32 [tilespmem:s12], [sflag:$0x1], $0x1, s14, s10, $0xb8;
	[tilespmem:$0x2F80] =	vst v63  }
0x11c: {  	v2 =	vld [tilespmem:s20+$0x180];
	_ =	sdelay $0x4  }
0x11d: {  	[tilespmem:$0x2980] =	vst v2  }
0x11e: {  	v2 =	vld [tilespmem:s20+$0x190];
	_ =	sdelay $0x4  }
0x11f: {  	[tilespmem:$0x2990] =	vst v2  }
0x120: {  	v2 =	vld [tilespmem:s20+$0x1A0];
	_ =	sdelay $0x4  }
0x121: {  	[tilespmem:$0x29A0] =	vst v2  }
0x122: {  	v2 =	vld [tilespmem:s20+$0x1B0];
	_ =	sdelay $0x4  }
0x123: {  	[tilespmem:$0x29B0] =	vst v2  }
0x124: {  	v2 =	vld [tilespmem:s20+$0x1C0];
	_ =	sdelay $0x4  }
0x125: {  	[tilespmem:$0x29C0] =	vst v2  }
0x126: {  	v2 =	vld [tilespmem:s20+$0x1D0];
	_ =	sdelay $0x4  }
0x127: {  	[tilespmem:$0x29D0] =	vst v2  }
0x128: {  	v2 =	vld [tilespmem:s20+$0x1E0];
	_ =	sdelay $0x4  }
0x129: {  	[tilespmem:$0x29E0] =	vst v2  }
0x12a: {  	v2 =	vld [tilespmem:s20+$0x1F0];
	_ =	sdelay $0x4  }
0x12b: {  	[tilespmem:$0x29F0] =	vst v2  }
0x12c: {  	[spmem:s2] =	stream.indirect.scatter.add.f32 [tilespmem:s12], [sflag:$0x1], $0x1, s15, s10, $0xb8;
	[tilespmem:$0x2F80] =	vst v63  }
0x12d: {  	_ =	swait.ge [sflag:s16], $0x80  }
0x12e: {  	[sflag:s16] =	ssyncset.done $0x0  }
0x12f: {  	[sflag:s16] =	ssyncadd.s32 $0xFFFFFF80  }
0x130: {  	_ =	swait.ge [sflag:s16], $0x80  }
0x131: {  	[sflag:s16] =	ssyncset.done $0x0  }
0x132: {  	[sflag:s16] =	ssyncadd.s32 $0xFFFFFF80  }
0x133: {  	_ =	swait.ge [sflag:s16], $0x80  }
0x134: {  	[sflag:s16] =	ssyncset.done $0x0  }
0x135: {  	[sflag:s16] =	ssyncadd.s32 $0xFFFFFF80  }
0x136: {  	_ =	swait.ge [sflag:s16], $0x80  }
0x137: {  	s19 =	sadd.s32 $0x1, s19;
	[sflag:s16] =	ssyncset.done $0x0  }
0x138: {  	p0 =	sne.s32 s19, s7;
	[sflag:s16] =	ssyncadd.s32 $0xFFFFFF80  }
.Ltmp1:
0x139: {  	[bflag:$0x0] =	sbarrier.arrive $0xFFFF;
	(pc) =	sbr.rel @p0 .LBB2_1-.Ltmp1, $4  }
0x13a: {  	[hbm:s6], [sflag:s17] =	dma.local [spmem:s18], $0x50  }
0x13b: {  	_ =	swait.ge [sflag:s9], $0x50  }
0x13c: {  	[sflag:s9] =	ssyncset.done $0x0  }
0x13d: {  	[sflag:s9] =	ssyncadd.s32 $0xFFFFFFB0  }
0x13e: {  	_ =	sfence.sel $0x180000  }
0x13f: {  	[bflag:$0x0] =	sbarrier.arrive $0xFFFF  }
0x140: {  	p0 =	sne.s32 s0, $0x0;
	_ =	strace $0x90000047  }
0x141: {  	s0 =	sadd.s32 @!p0 $0x100000, s1;
	[bflag:$0x2] =	sbarrier.arrive $0xFFFF  }
0x142: {  	[sflag:s0] =	ssyncadd.tile.s32 @!p0 $0x1;
	_ =	shalt  }
.Lfunc_end2:
_tile_overlayer_lowered:
.L_overlay_start_2:
0x143: {  	(tag) =	ssettag $0x2  }
0x144: {  	s0 =	rddreg [dreg:$0x0];
	s2 =	stileid.u32  }
0x145: {  	s1 =	rddreg [dreg:$0x1];
	p0 =	sne.s32 s2, $0x0  }
0x146: {  	s3 =	rddreg [dreg:$0x2];
	[bflag:$0x3] =	sbarrier.arrive $0xFFFF;
	s2 =	simm.s32 @!p0 $0x1C02  }
0x147: {  	[timem:s3], [sflag:s2] =	dma.local @!p0 [hbm:s0], s1  }
0x148: {  	s0 =	simm.s32 @!p0 $0x2  }
0x149: {  	_ =	swait.ge @!p0 [sflag:s0], s1  }
0x14a: {  	s1 =	ssub.s32 @!p0 $0x0, s1;
	[sflag:s0] =	ssyncset.done @!p0 $0x0  }
0x14b: {  	[sflag:s0] =	ssyncadd.s32 @!p0 s1  }
0x14c: {  	[bflag:$0x3] =	sbarrier.arrive $0xFFFF  }
0x14d: {  	_ =	shalt  }

</sc_bundles>
